<compile_context>
chip_gen: v7x
topology: tpu7x:2x2x1
jax: 0.10.2.dev20260603
libtpu: 0.0.44.dev20260713+nightly
codegen_flags: <defaults>
</compile_context>

<pallas_src>
import functools

import jax
import jax.numpy as jnp
from jax import lax
from jax.experimental import pallas as pl
from jax.experimental.pallas import tpu as pltpu
from jax.experimental.pallas import tpu_sc as plsc

N = 10000
E = 320000
D = 128

NC = 2
NS = 16
NW = NC * NS
EPW = E // NW
K = 80
NCHUNK = EPW // K
NPAD = 10240
DSL = NPAD // NS

HALF = NPAD // NC
TRASH = HALF
AROWS = HALF + 8
EPT = E // NS
NCH2 = EPT // K
ZR = HALF // NS

_mesh = plsc.VectorSubcoreMesh(core_axis_name="c", subcore_axis_name="s")



@functools.partial(
    pl.kernel,
    out_type=jax.ShapeDtypeStruct((NC * NPAD,), jnp.float32),
    mesh=_mesh,
    scratch_types=[
        pltpu.VMEM((NCHUNK, K), jnp.int32),
        pltpu.VMEM((K,), jnp.float32),
        pltpu.VMEM((DSL,), jnp.float32),
        pltpu.VMEM_SHARED((NPAD,), jnp.float32),
    ],
)
def _deg_kernel(dst_hbm, ones_hbm, zeros_hbm, deg_out, idx_v, ones_v, zb_v, deg_sh):
    c = lax.axis_index("c")
    s = lax.axis_index("s")
    wid = s * NC + c
    pltpu.sync_copy(zeros_hbm, zb_v)
    pltpu.sync_copy(zb_v, deg_sh.at[pl.ds(s * DSL, DSL)])
    pltpu.sync_copy(ones_hbm, ones_v)
    plsc.subcore_barrier()
    pltpu.sync_copy(dst_hbm.at[wid], idx_v)

    def body(j, carry):
        pltpu.sync_copy(ones_v, deg_sh.at[idx_v.at[j]], add=True)
        return carry

    lax.fori_loop(0, NCHUNK, body, 0)
    plsc.subcore_barrier()
    pltpu.sync_copy(deg_sh.at[pl.ds(s * DSL, DSL)], zb_v)
    pltpu.sync_copy(zb_v, deg_out.at[pl.ds(c * NPAD + s * DSL, DSL)])



RB = 1000


def _norm_body(deg_ref, x_ref, h_ref, norm_ref):
    d = deg_ref[0] + deg_ref[1]
    nrm = lax.rsqrt(jnp.maximum(d, 1.0))
    norm_ref[...] = nrm
    h_ref[...] = x_ref[...] * nrm


_norm_call = pl.pallas_call(
    _norm_body,
    grid=(N // RB,),
    in_specs=[
        pl.BlockSpec((NC, RB, 1), lambda i: (0, i, 0)),
        pl.BlockSpec((RB, D), lambda i: (i, 0)),
    ],
    out_specs=[
        pl.BlockSpec((RB, D), lambda i: (i, 0)),
        pl.BlockSpec((RB, 1), lambda i: (i, 0)),
    ],
    out_shape=[
        jax.ShapeDtypeStruct((N, D), jnp.float32),
        jax.ShapeDtypeStruct((N, 1), jnp.float32),
    ],
)



@functools.partial(
    pl.kernel,
    out_type=jax.ShapeDtypeStruct((NC, HALF, D), jnp.float32),
    mesh=_mesh,
    scratch_types=[
        pltpu.VMEM((EPT,), jnp.int32),
        pltpu.VMEM((NCH2, K), jnp.int32),
        pltpu.VMEM((K, D), jnp.float32),
        pltpu.VMEM((ZR // 5, D), jnp.float32),
        pltpu.VMEM_SHARED((AROWS, D), jnp.float32),
        pltpu.SemaphoreType.DMA,
    ],
)
def _agg_kernel(h_hbm, src_hbm, dst_hbm, zrows_hbm, agg_out,
                src_v, dst_v, row_v, wb_v, agg_sh, sem):
    c = lax.axis_index("c")
    s = lax.axis_index("s")
    base = c * HALF
    for i in range(5):
        pltpu.sync_copy(zrows_hbm, agg_sh.at[pl.ds(s * ZR + i * (ZR // 5), ZR // 5)])

    @pl.when(s == 0)
    def _zero_trash():
        pltpu.sync_copy(zrows_hbm.at[pl.ds(0, 8)], agg_sh.at[pl.ds(HALF, 8)])

    pltpu.sync_copy(src_hbm.at[pl.ds(s * EPT, EPT)], src_v)
    pltpu.sync_copy(dst_hbm.at[s], dst_v)

    def remap(j, carry):
        for k in range(K // 16):
            v = dst_v[j, pl.ds(k * 16, 16)]
            loc = v - base
            ok = (loc >= 0) & (loc < HALF)
            dst_v[j, pl.ds(k * 16, 16)] = jnp.where(ok, loc, TRASH)
        return carry

    lax.fori_loop(0, NCH2, remap, 0)
    plsc.subcore_barrier()

    def body(j, carry):
        e0 = pl.multiple_of(j * K, 8)
        pltpu.async_copy(h_hbm.at[src_v.at[pl.ds(e0, K)]], row_v, sem).wait()
        pltpu.sync_copy(row_v, agg_sh.at[dst_v.at[j]], add=True)
        return carry

    lax.fori_loop(0, NCH2, body, 0)
    plsc.subcore_barrier()
    for i in range(5):
        r0 = s * ZR + i * (ZR // 5)
        pltpu.sync_copy(agg_sh.at[pl.ds(r0, ZR // 5)], wb_v)
        pltpu.sync_copy(wb_v, agg_out.at[c].at[pl.ds(r0, ZR // 5)])



def _mm_body(agg_ref, norm_ref, w_ref, b_ref, out_ref):
    a = agg_ref[...] * norm_ref[...]
    out_ref[...] = (
        jnp.dot(a, w_ref[...], preferred_element_type=jnp.float32) + b_ref[...]
    )


_mm_call = pl.pallas_call(
    _mm_body,
    grid=(N // RB,),
    in_specs=[
        pl.BlockSpec((RB, D), lambda i: (i, 0)),
        pl.BlockSpec((RB, 1), lambda i: (i, 0)),
        pl.BlockSpec((D, D), lambda i: (0, 0)),
        pl.BlockSpec((1, D), lambda i: (0, 0)),
    ],
    out_specs=pl.BlockSpec((RB, D), lambda i: (i, 0)),
    out_shape=jax.ShapeDtypeStruct((N, D), jnp.float32),
)


def kernel(x, edge_index, W, b):
    src_w = edge_index[0].reshape(NW, NCHUNK, K)
    dst_w = edge_index[1].reshape(NW, NCHUNK, K)
    src_t = edge_index[0]
    dst_t = edge_index[1].reshape(NS, NCH2, K)
    ones_k = jnp.ones((K,), jnp.float32)
    zeros_d = jnp.zeros((DSL,), jnp.float32)
    zrows = jnp.zeros((ZR // 5, D), jnp.float32)

    deg_parts = _deg_kernel(dst_w, ones_k, zeros_d)
    deg = deg_parts.reshape(NC, NPAD)[:, :N].reshape(NC, N, 1)
    h, norm = _norm_call(deg, x)
    agg_parts = _agg_kernel(h, src_t, dst_t, zrows)
    agg = agg_parts.reshape(NC * HALF, D)[:N]
    out = _mm_call(agg, norm, W, b.reshape(1, D))
    return out

# --- scband reference (transcript-rebuilt; emitter-appended) ---
"""Pipeline reference for scband-gcnlayer-30193620090942 (READ-ONLY COPY).

The authoritative reference and input builder live on the scoring server;
editing this copy changes nothing except your own understanding.
"""

import jax, jax.numpy as jnp
import numpy as np

N = 10000
E = 320000
D_IN = 128
D_OUT = 128


def setup_inputs(seed: int = 0) -> dict:
    key = jax.random.key(seed)
    k1, k2, k3, k4 = jax.random.split(key, 4)
    x = jax.random.normal(k1, (N, D_IN), dtype=jnp.float32)
    edge_index = jax.random.randint(k2, (2, E), 0, N, dtype=jnp.int32)
    # kaiming_uniform_(a=sqrt(5)) on [in_dim, out_dim]: fan_in = in_dim
    gain = np.sqrt(2.0 / (1.0 + 5.0))
    bound_w = gain * np.sqrt(3.0 / D_IN)
    W = jax.random.uniform(k3, (D_IN, D_OUT), dtype=jnp.float32, minval=-bound_w, maxval=bound_w)
    bound_b = 1.0 / np.sqrt(D_IN)
    b = jax.random.uniform(k4, (D_OUT,), dtype=jnp.float32, minval=-bound_b, maxval=bound_b)
    return {"x": x, "edge_index": edge_index, "W": W, "b": b}


def reference(x, edge_index, W, b):
    src = edge_index[0]
    dst = edge_index[1]
    # in-degrees of destination nodes, clamped at 1
    degs = jax.ops.segment_sum(jnp.ones((E,), dtype=jnp.float32), dst, num_segments=N)
    degs = jnp.clip(degs, 1.0, None)
    norm = jnp.power(degs, -0.5)
    # symmetric normalization: scale src features, sum-aggregate over edges, scale at dst
    h = x * norm[:, None]
    msgs = jnp.take(h, src, axis=0)
    agg = jax.ops.segment_sum(msgs, dst, num_segments=N)
    agg = agg * norm[:, None]
    out = agg @ W + b
    return out

if __name__ == "__main__":
    import jax
    _d = setup_inputs()
    print(jax.jit(kernel)(*tuple(_d.values())))

</pallas_src>

<mosaic_0001>
#map = affine_map<(d0, d1) -> (0, 0, 0)>
#map1 = affine_map<(d0, d1) -> (0)>
module attributes {stable_mosaic.version = 14 : i64} {
  func.func @_deg_kernel(%arg0: i32, %arg1: i32, %arg2: memref<32x125x80xi32, #tpu.memory_space<hbm>>, %arg3: memref<80xf32, #tpu.memory_space<hbm>>, %arg4: memref<640xf32, #tpu.memory_space<hbm>>, %arg5: memref<20480xf32, #tpu.memory_space<hbm>>, %arg6: memref<125x80xi32, #tpu.memory_space<vmem>>, %arg7: memref<80xf32, #tpu.memory_space<vmem>>, %arg8: memref<640xf32, #tpu.memory_space<vmem>>, %arg9: memref<10240xf32, #tpu.memory_space<vmem_shared>>) attributes {dimension_semantics = [#tpu.dimension_semantics<core_parallel>, #tpu.dimension_semantics<subcore_parallel>], iteration_bounds = array<i64: 2, 16>, scalar_prefetch = 0 : i64, scratch_operands = 4 : i64, tpu.core_type = #tpu.core_type<sc_vector_subcore>, window_params = [{transform_indices = #map}, {transform_indices = #map1}, {transform_indices = #map1}, {transform_indices = #map1}]} {
    %mul3A = arith.constant 2 : i32
    %mul3A_0 = arith.muli %arg1, %mul3A : i32
    %add3A = arith.addi %mul3A_0, %arg0 : i32
    "tpu.region"() ({
      %run_scoped3A = tpu.sem_alloc : memref<!tpu.dma_semaphore, #tpu.memory_space<semaphore_mem>>
      tpu.enqueue_dma source(%arg4 : memref<640xf32, #tpu.memory_space<hbm>>) target(%arg8 : memref<640xf32, #tpu.memory_space<vmem>>) target_semaphore(%run_scoped3A : memref<!tpu.dma_semaphore, #tpu.memory_space<semaphore_mem>>)
      tpu.wait_dma2 semaphore(%run_scoped3A : memref<!tpu.dma_semaphore, #tpu.memory_space<semaphore_mem>>) src(%arg4 : memref<640xf32, #tpu.memory_space<hbm>>) dst(%arg8 : memref<640xf32, #tpu.memory_space<vmem>>)
      tpu.yield
    }) : () -> ()
    %mul3A_1 = arith.constant 640 : i32
    %mul3A_2 = arith.muli %arg1, %mul3A_1 : i32
    "tpu.region"() ({
      %run_scoped3A = tpu.sem_alloc : memref<!tpu.dma_semaphore, #tpu.memory_space<semaphore_mem>>
      %dma_start3A = tpu.memref_slice %arg9[%mul3A_2] : memref<10240xf32, #tpu.memory_space<vmem_shared>> -> memref<640xf32, #tpu.memory_space<vmem_shared>>
      %dma_start3A_16 = tpu.memref_slice %arg9[%mul3A_2] : memref<10240xf32, #tpu.memory_space<vmem_shared>> -> memref<640xf32, #tpu.memory_space<vmem_shared>>
      tpu.enqueue_dma source(%arg8 : memref<640xf32, #tpu.memory_space<vmem>>) target(%dma_start3A_16 : memref<640xf32, #tpu.memory_space<vmem_shared>>) target_semaphore(%run_scoped3A : memref<!tpu.dma_semaphore, #tpu.memory_space<semaphore_mem>>)
      %dma_wait3A = tpu.memref_slice %arg9[%mul3A_2] : memref<10240xf32, #tpu.memory_space<vmem_shared>> -> memref<640xf32, #tpu.memory_space<vmem_shared>>
      %dma_wait3A_17 = tpu.memref_slice %arg9[%mul3A_2] : memref<10240xf32, #tpu.memory_space<vmem_shared>> -> memref<640xf32, #tpu.memory_space<vmem_shared>>
      tpu.wait_dma2 semaphore(%run_scoped3A : memref<!tpu.dma_semaphore, #tpu.memory_space<semaphore_mem>>) src(%arg8 : memref<640xf32, #tpu.memory_space<vmem>>) dst(%dma_wait3A_17 : memref<640xf32, #tpu.memory_space<vmem_shared>>)
      tpu.yield
    }) : () -> ()
    "tpu.region"() ({
      %run_scoped3A = tpu.sem_alloc : memref<!tpu.dma_semaphore, #tpu.memory_space<semaphore_mem>>
      tpu.enqueue_dma source(%arg3 : memref<80xf32, #tpu.memory_space<hbm>>) target(%arg7 : memref<80xf32, #tpu.memory_space<vmem>>) target_semaphore(%run_scoped3A : memref<!tpu.dma_semaphore, #tpu.memory_space<semaphore_mem>>)
      tpu.wait_dma2 semaphore(%run_scoped3A : memref<!tpu.dma_semaphore, #tpu.memory_space<semaphore_mem>>) src(%arg3 : memref<80xf32, #tpu.memory_space<hbm>>) dst(%arg7 : memref<80xf32, #tpu.memory_space<vmem>>)
      tpu.yield
    }) : () -> ()
    %barrier3A = arith.constant 0 : index
    tpu.barrier barrier_id(%barrier3A)
    "tpu.region"() ({
      %run_scoped3A = tpu.sem_alloc : memref<!tpu.dma_semaphore, #tpu.memory_space<semaphore_mem>>
      %dma_start3A = arith.constant 0 : i32
      %dma_start3A_16 = arith.constant 0 : i32
      %dma_start3A_17 = tpu.memref_slice %arg2[%add3A, %dma_start3A, %dma_start3A_16] : memref<32x125x80xi32, #tpu.memory_space<hbm>> -> memref<1x125x80xi32, #tpu.memory_space<hbm>>
      %dma_start3A_18 = tpu.memref_squeeze %dma_start3A_17 : memref<1x125x80xi32, #tpu.memory_space<hbm>> -> memref<125x80xi32, #tpu.memory_space<hbm>>
      %dma_start3A_19 = arith.constant 0 : i32
      %dma_start3A_20 = arith.constant 0 : i32
      %dma_start3A_21 = tpu.memref_slice %arg2[%add3A, %dma_start3A_19, %dma_start3A_20] : memref<32x125x80xi32, #tpu.memory_space<hbm>> -> memref<1x125x80xi32, #tpu.memory_space<hbm>>
      %dma_start3A_22 = tpu.memref_squeeze %dma_start3A_21 : memref<1x125x80xi32, #tpu.memory_space<hbm>> -> memref<125x80xi32, #tpu.memory_space<hbm>>
      tpu.enqueue_dma source(%dma_start3A_22 : memref<125x80xi32, #tpu.memory_space<hbm>>) target(%arg6 : memref<125x80xi32, #tpu.memory_space<vmem>>) target_semaphore(%run_scoped3A : memref<!tpu.dma_semaphore, #tpu.memory_space<semaphore_mem>>)
      %dma_wait3A = arith.constant 0 : i32
      %dma_wait3A_23 = arith.constant 0 : i32
      %dma_wait3A_24 = tpu.memref_slice %arg2[%add3A, %dma_wait3A, %dma_wait3A_23] : memref<32x125x80xi32, #tpu.memory_space<hbm>> -> memref<1x125x80xi32, #tpu.memory_space<hbm>>
      %dma_wait3A_25 = tpu.memref_squeeze %dma_wait3A_24 : memref<1x125x80xi32, #tpu.memory_space<hbm>> -> memref<125x80xi32, #tpu.memory_space<hbm>>
      %dma_wait3A_26 = arith.constant 0 : i32
      %dma_wait3A_27 = arith.constant 0 : i32
      %dma_wait3A_28 = tpu.memref_slice %arg2[%add3A, %dma_wait3A_26, %dma_wait3A_27] : memref<32x125x80xi32, #tpu.memory_space<hbm>> -> memref<1x125x80xi32, #tpu.memory_space<hbm>>
      %dma_wait3A_29 = tpu.memref_squeeze %dma_wait3A_28 : memref<1x125x80xi32, #tpu.memory_space<hbm>> -> memref<125x80xi32, #tpu.memory_space<hbm>>
      tpu.wait_dma2 semaphore(%run_scoped3A : memref<!tpu.dma_semaphore, #tpu.memory_space<semaphore_mem>>) src(%dma_wait3A_29 : memref<125x80xi32, #tpu.memory_space<hbm>>) dst(%arg6 : memref<125x80xi32, #tpu.memory_space<vmem>>)
      tpu.yield
    }) : () -> ()
    %scan3A = arith.constant 0 : i32
    %scan3A_3 = arith.constant 0 : i32
    %scan3A_4 = arith.constant 125 : i32
    %scan3A_5 = arith.addi %scan3A_3, %scan3A_4 : i32
    %scan3A_6 = arith.constant 1 : i32
    scf.for %scan3A_16 = %scan3A_3 to %scan3A_5 step %scan3A_6  : i32 {
      "tpu.region"() ({
        %run_scoped3A = tpu.sem_alloc : memref<!tpu.dma_semaphore, #tpu.memory_space<semaphore_mem>>
        %dma_start3A = arith.constant 0 : i32
        %dma_start3A_17 = tpu.memref_slice %arg6[%scan3A_16, %dma_start3A] : memref<125x80xi32, #tpu.memory_space<vmem>> -> memref<1x80xi32, #tpu.memory_space<vmem>>
        %dma_start3A_18 = tpu.memref_squeeze %dma_start3A_17 : memref<1x80xi32, #tpu.memory_space<vmem>> -> memref<80xi32, #tpu.memory_space<vmem>>
        %dma_start3A_19 = arith.constant 0 : i32
        %dma_start3A_20 = tpu.memref_slice %arg9[%dma_start3A_19] : memref<10240xf32, #tpu.memory_space<vmem_shared>> -> memref<10240xf32, #tpu.memory_space<vmem_shared>>
        tpu.enqueue_indirect_dma source(%arg7 : memref<80xf32, #tpu.memory_space<vmem>>) target(%dma_start3A_20 : memref<10240xf32, #tpu.memory_space<vmem_shared>>) offsets(%dma_start3A_18 : memref<80xi32, #tpu.memory_space<vmem>>) semaphore(%run_scoped3A : memref<!tpu.dma_semaphore, #tpu.memory_space<semaphore_mem>>) {add = true}
        %dma_wait3A = arith.constant 0 : i32
        %dma_wait3A_21 = tpu.memref_slice %arg6[%scan3A_16, %dma_wait3A] : memref<125x80xi32, #tpu.memory_space<vmem>> -> memref<1x80xi32, #tpu.memory_space<vmem>>
        %dma_wait3A_22 = tpu.memref_squeeze %dma_wait3A_21 : memref<1x80xi32, #tpu.memory_space<vmem>> -> memref<80xi32, #tpu.memory_space<vmem>>
        %dma_wait3A_23 = arith.constant 0 : i32
        %dma_wait3A_24 = tpu.memref_slice %arg9[%dma_wait3A_23] : memref<10240xf32, #tpu.memory_space<vmem_shared>> -> memref<10240xf32, #tpu.memory_space<vmem_shared>>
        tpu.wait_indirect_dma semaphore(%run_scoped3A : memref<!tpu.dma_semaphore, #tpu.memory_space<semaphore_mem>>) src(%arg7 : memref<80xf32, #tpu.memory_space<vmem>>) dst(%dma_wait3A_24 : memref<10240xf32, #tpu.memory_space<vmem_shared>>)
        tpu.yield
      }) : () -> ()
    }
    %scan3A_7 = arith.constant 125 : i32
    %barrier3A_8 = arith.constant 0 : index
    tpu.barrier barrier_id(%barrier3A_8)
    %mul3A_9 = arith.constant 640 : i32
    %mul3A_10 = arith.muli %arg1, %mul3A_9 : i32
    "tpu.region"() ({
      %run_scoped3A = tpu.sem_alloc : memref<!tpu.dma_semaphore, #tpu.memory_space<semaphore_mem>>
      %dma_start3A = tpu.memref_slice %arg9[%mul3A_10] : memref<10240xf32, #tpu.memory_space<vmem_shared>> -> memref<640xf32, #tpu.memory_space<vmem_shared>>
      %dma_start3A_16 = tpu.memref_slice %arg9[%mul3A_10] : memref<10240xf32, #tpu.memory_space<vmem_shared>> -> memref<640xf32, #tpu.memory_space<vmem_shared>>
      tpu.enqueue_dma source(%dma_start3A_16 : memref<640xf32, #tpu.memory_space<vmem_shared>>) target(%arg8 : memref<640xf32, #tpu.memory_space<vmem>>) target_semaphore(%run_scoped3A : memref<!tpu.dma_semaphore, #tpu.memory_space<semaphore_mem>>)
      %dma_wait3A = tpu.memref_slice %arg9[%mul3A_10] : memref<10240xf32, #tpu.memory_space<vmem_shared>> -> memref<640xf32, #tpu.memory_space<vmem_shared>>
      %dma_wait3A_17 = tpu.memref_slice %arg9[%mul3A_10] : memref<10240xf32, #tpu.memory_space<vmem_shared>> -> memref<640xf32, #tpu.memory_space<vmem_shared>>
      tpu.wait_dma2 semaphore(%run_scoped3A : memref<!tpu.dma_semaphore, #tpu.memory_space<semaphore_mem>>) src(%dma_wait3A_17 : memref<640xf32, #tpu.memory_space<vmem_shared>>) dst(%arg8 : memref<640xf32, #tpu.memory_space<vmem>>)
      tpu.yield
    }) : () -> ()
    %mul3A_11 = arith.constant 10240 : i32
    %mul3A_12 = arith.muli %arg0, %mul3A_11 : i32
    %mul3A_13 = arith.constant 640 : i32
    %mul3A_14 = arith.muli %arg1, %mul3A_13 : i32
    %add3A_15 = arith.addi %mul3A_12, %mul3A_14 : i32
    "tpu.region"() ({
      %run_scoped3A = tpu.sem_alloc : memref<!tpu.dma_semaphore, #tpu.memory_space<semaphore_mem>>
      %dma_start3A = tpu.memref_slice %arg5[%add3A_15] : memref<20480xf32, #tpu.memory_space<hbm>> -> memref<640xf32, #tpu.memory_space<hbm>>
      %dma_start3A_16 = tpu.memref_slice %arg5[%add3A_15] : memref<20480xf32, #tpu.memory_space<hbm>> -> memref<640xf32, #tpu.memory_space<hbm>>
      tpu.enqueue_dma source(%arg8 : memref<640xf32, #tpu.memory_space<vmem>>) target(%dma_start3A_16 : memref<640xf32, #tpu.memory_space<hbm>>) target_semaphore(%run_scoped3A : memref<!tpu.dma_semaphore, #tpu.memory_space<semaphore_mem>>)
      %dma_wait3A = tpu.memref_slice %arg5[%add3A_15] : memref<20480xf32, #tpu.memory_space<hbm>> -> memref<640xf32, #tpu.memory_space<hbm>>
      %dma_wait3A_17 = tpu.memref_slice %arg5[%add3A_15] : memref<20480xf32, #tpu.memory_space<hbm>> -> memref<640xf32, #tpu.memory_space<hbm>>
      tpu.wait_dma2 semaphore(%run_scoped3A : memref<!tpu.dma_semaphore, #tpu.memory_space<semaphore_mem>>) src(%arg8 : memref<640xf32, #tpu.memory_space<vmem>>) dst(%dma_wait3A_17 : memref<640xf32, #tpu.memory_space<hbm>>)
      tpu.yield
    }) : () -> ()
    return
  }
}

#map = affine_map<(d0, d1) -> (0, 0)>
#map1 = affine_map<(d0, d1) -> (0)>
#map2 = affine_map<(d0, d1) -> (0, 0, 0)>
module attributes {stable_mosaic.version = 14 : i64} {
  func.func @_agg_kernel(%arg0: i32, %arg1: i32, %arg2: memref<10000x128xf32, #tpu.memory_space<hbm>>, %arg3: memref<320000xi32, #tpu.memory_space<hbm>>, %arg4: memref<16x250x80xi32, #tpu.memory_space<hbm>>, %arg5: memref<64x128xf32, #tpu.memory_space<hbm>>, %arg6: memref<2x5120x128xf32, #tpu.memory_space<hbm>>, %arg7: memref<20000xi32, #tpu.memory_space<vmem>>, %arg8: memref<250x80xi32, #tpu.memory_space<vmem>>, %arg9: memref<80x128xf32, #tpu.memory_space<vmem>>, %arg10: memref<64x128xf32, #tpu.memory_space<vmem>>, %arg11: memref<5128x128xf32, #tpu.memory_space<vmem_shared>>, %arg12: memref<!tpu.dma_semaphore, #tpu.memory_space<semaphore_mem>>) attributes {dimension_semantics = [#tpu.dimension_semantics<core_parallel>, #tpu.dimension_semantics<subcore_parallel>], iteration_bounds = array<i64: 2, 16>, scalar_prefetch = 0 : i64, scratch_operands = 6 : i64, tpu.core_type = #tpu.core_type<sc_vector_subcore>, window_params = [{transform_indices = #map}, {transform_indices = #map1}, {transform_indices = #map2}, {transform_indices = #map}, {transform_indices = #map2}]} {
    %mul3A = arith.constant 5120 : i32
    %mul3A_0 = arith.muli %arg0, %mul3A : i32
    %mul3A_1 = arith.constant 320 : i32
    %mul3A_2 = arith.muli %arg1, %mul3A_1 : i32
    %add3A = arith.constant 0 : i32
    %add3A_3 = arith.addi %mul3A_2, %add3A : i32
    "tpu.region"() ({
      %run_scoped3A = tpu.sem_alloc : memref<!tpu.dma_semaphore, #tpu.memory_space<semaphore_mem>>
      %dma_start3A = arith.constant 0 : i32
      %dma_start3A_56 = tpu.memref_slice %arg11[%add3A_3, %dma_start3A] : memref<5128x128xf32, #tpu.memory_space<vmem_shared>> -> memref<64x128xf32, #tpu.memory_space<vmem_shared>>
      tpu.enqueue_dma source(%arg5 : memref<64x128xf32, #tpu.memory_space<hbm>>) target(%dma_start3A_56 : memref<64x128xf32, #tpu.memory_space<vmem_shared>>) target_semaphore(%run_scoped3A : memref<!tpu.dma_semaphore, #tpu.memory_space<semaphore_mem>>)
      %dma_wait3A = arith.constant 0 : i32
      %dma_wait3A_57 = tpu.memref_slice %arg11[%add3A_3, %dma_wait3A] : memref<5128x128xf32, #tpu.memory_space<vmem_shared>> -> memref<64x128xf32, #tpu.memory_space<vmem_shared>>
      tpu.wait_dma2 semaphore(%run_scoped3A : memref<!tpu.dma_semaphore, #tpu.memory_space<semaphore_mem>>) src(%arg5 : memref<64x128xf32, #tpu.memory_space<hbm>>) dst(%dma_wait3A_57 : memref<64x128xf32, #tpu.memory_space<vmem_shared>>)
      tpu.yield
    }) : () -> ()
    %mul3A_4 = arith.constant 320 : i32
    %mul3A_5 = arith.muli %arg1, %mul3A_4 : i32
    %add3A_6 = arith.constant 64 : i32
    %add3A_7 = arith.addi %mul3A_5, %add3A_6 : i32
    "tpu.region"() ({
      %run_scoped3A = tpu.sem_alloc : memref<!tpu.dma_semaphore, #tpu.memory_space<semaphore_mem>>
      %dma_start3A = arith.constant 0 : i32
      %dma_start3A_56 = tpu.memref_slice %arg11[%add3A_7, %dma_start3A] : memref<5128x128xf32, #tpu.memory_space<vmem_shared>> -> memref<64x128xf32, #tpu.memory_space<vmem_shared>>
      tpu.enqueue_dma source(%arg5 : memref<64x128xf32, #tpu.memory_space<hbm>>) target(%dma_start3A_56 : memref<64x128xf32, #tpu.memory_space<vmem_shared>>) target_semaphore(%run_scoped3A : memref<!tpu.dma_semaphore, #tpu.memory_space<semaphore_mem>>)
      %dma_wait3A = arith.constant 0 : i32
      %dma_wait3A_57 = tpu.memref_slice %arg11[%add3A_7, %dma_wait3A] : memref<5128x128xf32, #tpu.memory_space<vmem_shared>> -> memref<64x128xf32, #tpu.memory_space<vmem_shared>>
      tpu.wait_dma2 semaphore(%run_scoped3A : memref<!tpu.dma_semaphore, #tpu.memory_space<semaphore_mem>>) src(%arg5 : memref<64x128xf32, #tpu.memory_space<hbm>>) dst(%dma_wait3A_57 : memref<64x128xf32, #tpu.memory_space<vmem_shared>>)
      tpu.yield
    }) : () -> ()
    %mul3A_8 = arith.constant 320 : i32
    %mul3A_9 = arith.muli %arg1, %mul3A_8 : i32
    %add3A_10 = arith.constant 128 : i32
    %add3A_11 = arith.addi %mul3A_9, %add3A_10 : i32
    "tpu.region"() ({
      %run_scoped3A = tpu.sem_alloc : memref<!tpu.dma_semaphore, #tpu.memory_space<semaphore_mem>>
      %dma_start3A = arith.constant 0 : i32
      %dma_start3A_56 = tpu.memref_slice %arg11[%add3A_11, %dma_start3A] : memref<5128x128xf32, #tpu.memory_space<vmem_shared>> -> memref<64x128xf32, #tpu.memory_space<vmem_shared>>
      tpu.enqueue_dma source(%arg5 : memref<64x128xf32, #tpu.memory_space<hbm>>) target(%dma_start3A_56 : memref<64x128xf32, #tpu.memory_space<vmem_shared>>) target_semaphore(%run_scoped3A : memref<!tpu.dma_semaphore, #tpu.memory_space<semaphore_mem>>)
      %dma_wait3A = arith.constant 0 : i32
      %dma_wait3A_57 = tpu.memref_slice %arg11[%add3A_11, %dma_wait3A] : memref<5128x128xf32, #tpu.memory_space<vmem_shared>> -> memref<64x128xf32, #tpu.memory_space<vmem_shared>>
      tpu.wait_dma2 semaphore(%run_scoped3A : memref<!tpu.dma_semaphore, #tpu.memory_space<semaphore_mem>>) src(%arg5 : memref<64x128xf32, #tpu.memory_space<hbm>>) dst(%dma_wait3A_57 : memref<64x128xf32, #tpu.memory_space<vmem_shared>>)
      tpu.yield
    }) : () -> ()
    %mul3A_12 = arith.constant 320 : i32
    %mul3A_13 = arith.muli %arg1, %mul3A_12 : i32
    %add3A_14 = arith.constant 192 : i32
    %add3A_15 = arith.addi %mul3A_13, %add3A_14 : i32
    "tpu.region"() ({
      %run_scoped3A = tpu.sem_alloc : memref<!tpu.dma_semaphore, #tpu.memory_space<semaphore_mem>>
      %dma_start3A = arith.constant 0 : i32
      %dma_start3A_56 = tpu.memref_slice %arg11[%add3A_15, %dma_start3A] : memref<5128x128xf32, #tpu.memory_space<vmem_shared>> -> memref<64x128xf32, #tpu.memory_space<vmem_shared>>
      tpu.enqueue_dma source(%arg5 : memref<64x128xf32, #tpu.memory_space<hbm>>) target(%dma_start3A_56 : memref<64x128xf32, #tpu.memory_space<vmem_shared>>) target_semaphore(%run_scoped3A : memref<!tpu.dma_semaphore, #tpu.memory_space<semaphore_mem>>)
      %dma_wait3A = arith.constant 0 : i32
      %dma_wait3A_57 = tpu.memref_slice %arg11[%add3A_15, %dma_wait3A] : memref<5128x128xf32, #tpu.memory_space<vmem_shared>> -> memref<64x128xf32, #tpu.memory_space<vmem_shared>>
      tpu.wait_dma2 semaphore(%run_scoped3A : memref<!tpu.dma_semaphore, #tpu.memory_space<semaphore_mem>>) src(%arg5 : memref<64x128xf32, #tpu.memory_space<hbm>>) dst(%dma_wait3A_57 : memref<64x128xf32, #tpu.memory_space<vmem_shared>>)
      tpu.yield
    }) : () -> ()
    %mul3A_16 = arith.constant 320 : i32
    %mul3A_17 = arith.muli %arg1, %mul3A_16 : i32
    %add3A_18 = arith.constant 256 : i32
    %add3A_19 = arith.addi %mul3A_17, %add3A_18 : i32
    "tpu.region"() ({
      %run_scoped3A = tpu.sem_alloc : memref<!tpu.dma_semaphore, #tpu.memory_space<semaphore_mem>>
      %dma_start3A = arith.constant 0 : i32
      %dma_start3A_56 = tpu.memref_slice %arg11[%add3A_19, %dma_start3A] : memref<5128x128xf32, #tpu.memory_space<vmem_shared>> -> memref<64x128xf32, #tpu.memory_space<vmem_shared>>
      tpu.enqueue_dma source(%arg5 : memref<64x128xf32, #tpu.memory_space<hbm>>) target(%dma_start3A_56 : memref<64x128xf32, #tpu.memory_space<vmem_shared>>) target_semaphore(%run_scoped3A : memref<!tpu.dma_semaphore, #tpu.memory_space<semaphore_mem>>)
      %dma_wait3A = arith.constant 0 : i32
      %dma_wait3A_57 = tpu.memref_slice %arg11[%add3A_19, %dma_wait3A] : memref<5128x128xf32, #tpu.memory_space<vmem_shared>> -> memref<64x128xf32, #tpu.memory_space<vmem_shared>>
      tpu.wait_dma2 semaphore(%run_scoped3A : memref<!tpu.dma_semaphore, #tpu.memory_space<semaphore_mem>>) src(%arg5 : memref<64x128xf32, #tpu.memory_space<hbm>>) dst(%dma_wait3A_57 : memref<64x128xf32, #tpu.memory_space<vmem_shared>>)
      tpu.yield
    }) : () -> ()
    %eq3A = arith.constant 0 : i32
    %eq3A_20 = arith.cmpi eq, %arg1, %eq3A : i32
    %convert_element_type3A = arith.extui %eq3A_20 : i1 to i32
    %cond3A = arith.constant 0 : i32
    %cond3A_21 = arith.cmpi ne, %convert_element_type3A, %cond3A : i32
    scf.if %cond3A_21 {
      "tpu.region"() ({
        %run_scoped3A = tpu.sem_alloc : memref<!tpu.dma_semaphore, #tpu.memory_space<semaphore_mem>>
        %dma_start3A = arith.constant 5120 : i32
        %dma_start3A_56 = arith.constant 0 : i32
        %dma_start3A_57 = tpu.memref_slice %arg11[%dma_start3A, %dma_start3A_56] : memref<5128x128xf32, #tpu.memory_space<vmem_shared>> -> memref<8x128xf32, #tpu.memory_space<vmem_shared>>
        %dma_start3A_58 = arith.constant 0 : i32
        %dma_start3A_59 = arith.constant 0 : i32
        %dma_start3A_60 = tpu.memref_slice %arg5[%dma_start3A_58, %dma_start3A_59] : memref<64x128xf32, #tpu.memory_space<hbm>> -> memref<8x128xf32, #tpu.memory_space<hbm>>
        tpu.enqueue_dma source(%dma_start3A_60 : memref<8x128xf32, #tpu.memory_space<hbm>>) target(%dma_start3A_57 : memref<8x128xf32, #tpu.memory_space<vmem_shared>>) target_semaphore(%run_scoped3A : memref<!tpu.dma_semaphore, #tpu.memory_space<semaphore_mem>>)
        %dma_wait3A = arith.constant 5120 : i32
        %dma_wait3A_61 = arith.constant 0 : i32
        %dma_wait3A_62 = tpu.memref_slice %arg11[%dma_wait3A, %dma_wait3A_61] : memref<5128x128xf32, #tpu.memory_space<vmem_shared>> -> memref<8x128xf32, #tpu.memory_space<vmem_shared>>
        %dma_wait3A_63 = arith.constant 0 : i32
        %dma_wait3A_64 = arith.constant 0 : i32
        %dma_wait3A_65 = tpu.memref_slice %arg5[%dma_wait3A_63, %dma_wait3A_64] : memref<64x128xf32, #tpu.memory_space<hbm>> -> memref<8x128xf32, #tpu.memory_space<hbm>>
        tpu.wait_dma2 semaphore(%run_scoped3A : memref<!tpu.dma_semaphore, #tpu.memory_space<semaphore_mem>>) src(%dma_wait3A_65 : memref<8x128xf32, #tpu.memory_space<hbm>>) dst(%dma_wait3A_62 : memref<8x128xf32, #tpu.memory_space<vmem_shared>>)
        tpu.yield
      }) : () -> ()
    } else {
    }
    %mul3A_22 = arith.constant 20000 : i32
    %mul3A_23 = arith.muli %arg1, %mul3A_22 : i32
    "tpu.region"() ({
      %run_scoped3A = tpu.sem_alloc : memref<!tpu.dma_semaphore, #tpu.memory_space<semaphore_mem>>
      %dma_start3A = tpu.memref_slice %arg3[%mul3A_23] : memref<320000xi32, #tpu.memory_space<hbm>> -> memref<20000xi32, #tpu.memory_space<hbm>>
      %dma_start3A_56 = tpu.memref_slice %arg3[%mul3A_23] : memref<320000xi32, #tpu.memory_space<hbm>> -> memref<20000xi32, #tpu.memory_space<hbm>>
      tpu.enqueue_dma source(%dma_start3A_56 : memref<20000xi32, #tpu.memory_space<hbm>>) target(%arg7 : memref<20000xi32, #tpu.memory_space<vmem>>) target_semaphore(%run_scoped3A : memref<!tpu.dma_semaphore, #tpu.memory_space<semaphore_mem>>)
      %dma_wait3A = tpu.memref_slice %arg3[%mul3A_23] : memref<320000xi32, #tpu.memory_space<hbm>> -> memref<20000xi32, #tpu.memory_space<hbm>>
      %dma_wait3A_57 = tpu.memref_slice %arg3[%mul3A_23] : memref<320000xi32, #tpu.memory_space<hbm>> -> memref<20000xi32, #tpu.memory_space<hbm>>
      tpu.wait_dma2 semaphore(%run_scoped3A : memref<!tpu.dma_semaphore, #tpu.memory_space<semaphore_mem>>) src(%dma_wait3A_57 : memref<20000xi32, #tpu.memory_space<hbm>>) dst(%arg7 : memref<20000xi32, #tpu.memory_space<vmem>>)
      tpu.yield
    }) : () -> ()
    "tpu.region"() ({
      %run_scoped3A = tpu.sem_alloc : memref<!tpu.dma_semaphore, #tpu.memory_space<semaphore_mem>>
      %dma_start3A = arith.constant 0 : i32
      %dma_start3A_56 = arith.constant 0 : i32
      %dma_start3A_57 = tpu.memref_slice %arg4[%arg1, %dma_start3A, %dma_start3A_56] : memref<16x250x80xi32, #tpu.memory_space<hbm>> -> memref<1x250x80xi32, #tpu.memory_space<hbm>>
      %dma_start3A_58 = tpu.memref_squeeze %dma_start3A_57 : memref<1x250x80xi32, #tpu.memory_space<hbm>> -> memref<250x80xi32, #tpu.memory_space<hbm>>
      %dma_start3A_59 = arith.constant 0 : i32
      %dma_start3A_60 = arith.constant 0 : i32
      %dma_start3A_61 = tpu.memref_slice %arg4[%arg1, %dma_start3A_59, %dma_start3A_60] : memref<16x250x80xi32, #tpu.memory_space<hbm>> -> memref<1x250x80xi32, #tpu.memory_space<hbm>>
      %dma_start3A_62 = tpu.memref_squeeze %dma_start3A_61 : memref<1x250x80xi32, #tpu.memory_space<hbm>> -> memref<250x80xi32, #tpu.memory_space<hbm>>
      tpu.enqueue_dma source(%dma_start3A_62 : memref<250x80xi32, #tpu.memory_space<hbm>>) target(%arg8 : memref<250x80xi32, #tpu.memory_space<vmem>>) target_semaphore(%run_scoped3A : memref<!tpu.dma_semaphore, #tpu.memory_space<semaphore_mem>>)
      %dma_wait3A = arith.constant 0 : i32
      %dma_wait3A_63 = arith.constant 0 : i32
      %dma_wait3A_64 = tpu.memref_slice %arg4[%arg1, %dma_wait3A, %dma_wait3A_63] : memref<16x250x80xi32, #tpu.memory_space<hbm>> -> memref<1x250x80xi32, #tpu.memory_space<hbm>>
      %dma_wait3A_65 = tpu.memref_squeeze %dma_wait3A_64 : memref<1x250x80xi32, #tpu.memory_space<hbm>> -> memref<250x80xi32, #tpu.memory_space<hbm>>
      %dma_wait3A_66 = arith.constant 0 : i32
      %dma_wait3A_67 = arith.constant 0 : i32
      %dma_wait3A_68 = tpu.memref_slice %arg4[%arg1, %dma_wait3A_66, %dma_wait3A_67] : memref<16x250x80xi32, #tpu.memory_space<hbm>> -> memref<1x250x80xi32, #tpu.memory_space<hbm>>
      %dma_wait3A_69 = tpu.memref_squeeze %dma_wait3A_68 : memref<1x250x80xi32, #tpu.memory_space<hbm>> -> memref<250x80xi32, #tpu.memory_space<hbm>>
      tpu.wait_dma2 semaphore(%run_scoped3A : memref<!tpu.dma_semaphore, #tpu.memory_space<semaphore_mem>>) src(%dma_wait3A_69 : memref<250x80xi32, #tpu.memory_space<hbm>>) dst(%arg8 : memref<250x80xi32, #tpu.memory_space<vmem>>)
      tpu.yield
    }) : () -> ()
    %scan3A = arith.constant 0 : i32
    %scan3A_24 = arith.constant 0 : i32
    %scan3A_25 = arith.constant 250 : i32
    %scan3A_26 = arith.addi %scan3A_24, %scan3A_25 : i32
    %scan3A_27 = arith.constant 1 : i32
    scf.for %scan3A_56 = %scan3A_24 to %scan3A_26 step %scan3A_27  : i32 {
      %get3A = arith.index_cast %scan3A_56 : i32 to index
      %get3A_57 = arith.constant 0 : index
      %get3A_58 = tpu.vector_load %arg8[%get3A, %get3A_57] {strides = array<i32>} : memref<250x80xi32, #tpu.memory_space<vmem>>, vector<1x16xi32>,
      %get3A_59 = vector.shape_cast %get3A_58 : vector<1x16xi32> to vector<16xi32>
      %sub3A = vector.broadcast %mul3A_0 : i32 to vector<16xi32>
      %sub3A_60 = arith.subi %get3A_59, %sub3A : vector<16xi32>
      %ge3A = arith.constant 0 : i32
      %ge3A_61 = vector.broadcast %ge3A : i32 to vector<16xi32>
      %ge3A_62 = arith.cmpi sge, %sub3A_60, %ge3A_61 : vector<16xi32>
      %lt3A = arith.constant 5120 : i32
      %lt3A_63 = vector.broadcast %lt3A : i32 to vector<16xi32>
      %lt3A_64 = arith.cmpi slt, %sub3A_60, %lt3A_63 : vector<16xi32>
      %and3A = arith.andi %ge3A_62, %lt3A_64 : vector<16xi1>
      %jit3A = arith.constant 5120 : i32
      %broadcast_in_dim3A = vector.broadcast %jit3A : i32 to vector<16xi32>
      %select_n3A = arith.select %and3A, %sub3A_60, %broadcast_in_dim3A : vector<16xi1>, vector<16xi32>
      %swap3A = arith.index_cast %scan3A_56 : i32 to index
      %swap3A_65 = arith.constant 0 : index
      %swap3A_66 = tpu.vector_load %arg8[%swap3A, %swap3A_65] {strides = array<i32>} : memref<250x80xi32, #tpu.memory_space<vmem>>, vector<1x16xi32>,
      %swap3A_67 = vector.shape_cast %swap3A_66 : vector<1x16xi32> to vector<16xi32>
      %swap3A_68 = vector.shape_cast %select_n3A : vector<16xi32> to vector<1x16xi32>
      tpu.vector_store %arg8[%swap3A, %swap3A_65], %swap3A_68 {strides = array<i32>} : memref<250x80xi32, #tpu.memory_space<vmem>>, vector<1x16xi32>,
      %get3A_69 = arith.index_cast %scan3A_56 : i32 to index
      %get3A_70 = arith.constant 16 : index
      %get3A_71 = tpu.vector_load %arg8[%get3A_69, %get3A_70] {strides = array<i32>} : memref<250x80xi32, #tpu.memory_space<vmem>>, vector<1x16xi32>,
      %get3A_72 = vector.shape_cast %get3A_71 : vector<1x16xi32> to vector<16xi32>
      %sub3A_73 = vector.broadcast %mul3A_0 : i32 to vector<16xi32>
      %sub3A_74 = arith.subi %get3A_72, %sub3A_73 : vector<16xi32>
      %ge3A_75 = arith.constant 0 : i32
      %ge3A_76 = vector.broadcast %ge3A_75 : i32 to vector<16xi32>
      %ge3A_77 = arith.cmpi sge, %sub3A_74, %ge3A_76 : vector<16xi32>
      %lt3A_78 = arith.constant 5120 : i32
      %lt3A_79 = vector.broadcast %lt3A_78 : i32 to vector<16xi32>
      %lt3A_80 = arith.cmpi slt, %sub3A_74, %lt3A_79 : vector<16xi32>
      %and3A_81 = arith.andi %ge3A_77, %lt3A_80 : vector<16xi1>
      %jit3A_82 = arith.constant 5120 : i32
      %broadcast_in_dim3A_83 = vector.broadcast %jit3A_82 : i32 to vector<16xi32>
      %select_n3A_84 = arith.select %and3A_81, %sub3A_74, %broadcast_in_dim3A_83 : vector<16xi1>, vector<16xi32>
      %swap3A_85 = arith.index_cast %scan3A_56 : i32 to index
      %swap3A_86 = arith.constant 16 : index
      %swap3A_87 = tpu.vector_load %arg8[%swap3A_85, %swap3A_86] {strides = array<i32>} : memref<250x80xi32, #tpu.memory_space<vmem>>, vector<1x16xi32>,
      %swap3A_88 = vector.shape_cast %swap3A_87 : vector<1x16xi32> to vector<16xi32>
      %swap3A_89 = vector.shape_cast %select_n3A_84 : vector<16xi32> to vector<1x16xi32>
      tpu.vector_store %arg8[%swap3A_85, %swap3A_86], %swap3A_89 {strides = array<i32>} : memref<250x80xi32, #tpu.memory_space<vmem>>, vector<1x16xi32>,
      %get3A_90 = arith.index_cast %scan3A_56 : i32 to index
      %get3A_91 = arith.constant 32 : index
      %get3A_92 = tpu.vector_load %arg8[%get3A_90, %get3A_91] {strides = array<i32>} : memref<250x80xi32, #tpu.memory_space<vmem>>, vector<1x16xi32>,
      %get3A_93 = vector.shape_cast %get3A_92 : vector<1x16xi32> to vector<16xi32>
      %sub3A_94 = vector.broadcast %mul3A_0 : i32 to vector<16xi32>
      %sub3A_95 = arith.subi %get3A_93, %sub3A_94 : vector<16xi32>
      %ge3A_96 = arith.constant 0 : i32
      %ge3A_97 = vector.broadcast %ge3A_96 : i32 to vector<16xi32>
      %ge3A_98 = arith.cmpi sge, %sub3A_95, %ge3A_97 : vector<16xi32>
      %lt3A_99 = arith.constant 5120 : i32
      %lt3A_100 = vector.broadcast %lt3A_99 : i32 to vector<16xi32>
      %lt3A_101 = arith.cmpi slt, %sub3A_95, %lt3A_100 : vector<16xi32>
      %and3A_102 = arith.andi %ge3A_98, %lt3A_101 : vector<16xi1>
      %jit3A_103 = arith.constant 5120 : i32
      %broadcast_in_dim3A_104 = vector.broadcast %jit3A_103 : i32 to vector<16xi32>
      %select_n3A_105 = arith.select %and3A_102, %sub3A_95, %broadcast_in_dim3A_104 : vector<16xi1>, vector<16xi32>
      %swap3A_106 = arith.index_cast %scan3A_56 : i32 to index
      %swap3A_107 = arith.constant 32 : index
      %swap3A_108 = tpu.vector_load %arg8[%swap3A_106, %swap3A_107] {strides = array<i32>} : memref<250x80xi32, #tpu.memory_space<vmem>>, vector<1x16xi32>,
      %swap3A_109 = vector.shape_cast %swap3A_108 : vector<1x16xi32> to vector<16xi32>
      %swap3A_110 = vector.shape_cast %select_n3A_105 : vector<16xi32> to vector<1x16xi32>
      tpu.vector_store %arg8[%swap3A_106, %swap3A_107], %swap3A_110 {strides = array<i32>} : memref<250x80xi32, #tpu.memory_space<vmem>>, vector<1x16xi32>,
      %get3A_111 = arith.index_cast %scan3A_56 : i32 to index
      %get3A_112 = arith.constant 48 : index
      %get3A_113 = tpu.vector_load %arg8[%get3A_111, %get3A_112] {strides = array<i32>} : memref<250x80xi32, #tpu.memory_space<vmem>>, vector<1x16xi32>,
      %get3A_114 = vector.shape_cast %get3A_113 : vector<1x16xi32> to vector<16xi32>
      %sub3A_115 = vector.broadcast %mul3A_0 : i32 to vector<16xi32>
      %sub3A_116 = arith.subi %get3A_114, %sub3A_115 : vector<16xi32>
      %ge3A_117 = arith.constant 0 : i32
      %ge3A_118 = vector.broadcast %ge3A_117 : i32 to vector<16xi32>
      %ge3A_119 = arith.cmpi sge, %sub3A_116, %ge3A_118 : vector<16xi32>
      %lt3A_120 = arith.constant 5120 : i32
      %lt3A_121 = vector.broadcast %lt3A_120 : i32 to vector<16xi32>
      %lt3A_122 = arith.cmpi slt, %sub3A_116, %lt3A_121 : vector<16xi32>
      %and3A_123 = arith.andi %ge3A_119, %lt3A_122 : vector<16xi1>
      %jit3A_124 = arith.constant 5120 : i32
      %broadcast_in_dim3A_125 = vector.broadcast %jit3A_124 : i32 to vector<16xi32>
      %select_n3A_126 = arith.select %and3A_123, %sub3A_116, %broadcast_in_dim3A_125 : vector<16xi1>, vector<16xi32>
      %swap3A_127 = arith.index_cast %scan3A_56 : i32 to index
      %swap3A_128 = arith.constant 48 : index
      %swap3A_129 = tpu.vector_load %arg8[%swap3A_127, %swap3A_128] {strides = array<i32>} : memref<250x80xi32, #tpu.memory_space<vmem>>, vector<1x16xi32>,
      %swap3A_130 = vector.shape_cast %swap3A_129 : vector<1x16xi32> to vector<16xi32>
      %swap3A_131 = vector.shape_cast %select_n3A_126 : vector<16xi32> to vector<1x16xi32>
      tpu.vector_store %arg8[%swap3A_127, %swap3A_128], %swap3A_131 {strides = array<i32>} : memref<250x80xi32, #tpu.memory_space<vmem>>, vector<1x16xi32>,
      %get3A_132 = arith.index_cast %scan3A_56 : i32 to index
      %get3A_133 = arith.constant 64 : index
      %get3A_134 = tpu.vector_load %arg8[%get3A_132, %get3A_133] {strides = array<i32>} : memref<250x80xi32, #tpu.memory_space<vmem>>, vector<1x16xi32>,
      %get3A_135 = vector.shape_cast %get3A_134 : vector<1x16xi32> to vector<16xi32>
      %sub3A_136 = vector.broadcast %mul3A_0 : i32 to vector<16xi32>
      %sub3A_137 = arith.subi %get3A_135, %sub3A_136 : vector<16xi32>
      %ge3A_138 = arith.constant 0 : i32
      %ge3A_139 = vector.broadcast %ge3A_138 : i32 to vector<16xi32>
      %ge3A_140 = arith.cmpi sge, %sub3A_137, %ge3A_139 : vector<16xi32>
      %lt3A_141 = arith.constant 5120 : i32
      %lt3A_142 = vector.broadcast %lt3A_141 : i32 to vector<16xi32>
      %lt3A_143 = arith.cmpi slt, %sub3A_137, %lt3A_142 : vector<16xi32>
      %and3A_144 = arith.andi %ge3A_140, %lt3A_143 : vector<16xi1>
      %jit3A_145 = arith.constant 5120 : i32
      %broadcast_in_dim3A_146 = vector.broadcast %jit3A_145 : i32 to vector<16xi32>
      %select_n3A_147 = arith.select %and3A_144, %sub3A_137, %broadcast_in_dim3A_146 : vector<16xi1>, vector<16xi32>
      %swap3A_148 = arith.index_cast %scan3A_56 : i32 to index
      %swap3A_149 = arith.constant 64 : index
      %swap3A_150 = tpu.vector_load %arg8[%swap3A_148, %swap3A_149] {strides = array<i32>} : memref<250x80xi32, #tpu.memory_space<vmem>>, vector<1x16xi32>,
      %swap3A_151 = vector.shape_cast %swap3A_150 : vector<1x16xi32> to vector<16xi32>
      %swap3A_152 = vector.shape_cast %select_n3A_147 : vector<16xi32> to vector<1x16xi32>
      tpu.vector_store %arg8[%swap3A_148, %swap3A_149], %swap3A_152 {strides = array<i32>} : memref<250x80xi32, #tpu.memory_space<vmem>>, vector<1x16xi32>,
    }
    %scan3A_28 = arith.constant 250 : i32
    %barrier3A = arith.constant 0 : index
    tpu.barrier barrier_id(%barrier3A)
    %scan3A_29 = arith.constant 0 : i32
    %scan3A_30 = arith.constant 0 : i32
    %scan3A_31 = arith.constant 250 : i32
    %scan3A_32 = arith.addi %scan3A_30, %scan3A_31 : i32
    %scan3A_33 = arith.constant 1 : i32
    scf.for %scan3A_56 = %scan3A_30 to %scan3A_32 step %scan3A_33  : i32 {
      %mul3A_57 = arith.constant 80 : i32
      %mul3A_58 = arith.muli %scan3A_56, %mul3A_57 : i32
      %multiple_of3A = tpu.assume_multiple %mul3A_58, 8 : i32
      %dma_start3A = tpu.memref_slice %arg7[%multiple_of3A] : memref<20000xi32, #tpu.memory_space<vmem>> -> memref<80xi32, #tpu.memory_space<vmem>>
      %dma_start3A_59 = arith.constant 0 : i32
      %dma_start3A_60 = arith.constant 0 : i32
      %dma_start3A_61 = tpu.memref_slice %arg2[%dma_start3A_59, %dma_start3A_60] : memref<10000x128xf32, #tpu.memory_space<hbm>> -> memref<10000x128xf32, #tpu.memory_space<hbm>>
      tpu.enqueue_indirect_dma source(%dma_start3A_61 : memref<10000x128xf32, #tpu.memory_space<hbm>>) target(%arg9 : memref<80x128xf32, #tpu.memory_space<vmem>>) offsets(%dma_start3A : memref<80xi32, #tpu.memory_space<vmem>>) semaphore(%arg12 : memref<!tpu.dma_semaphore, #tpu.memory_space<semaphore_mem>>)
      %dma_wait3A = tpu.memref_slice %arg7[%multiple_of3A] : memref<20000xi32, #tpu.memory_space<vmem>> -> memref<80xi32, #tpu.memory_space<vmem>>
      %dma_wait3A_62 = arith.constant 0 : i32
      %dma_wait3A_63 = arith.constant 0 : i32
      %dma_wait3A_64 = tpu.memref_slice %arg2[%dma_wait3A_62, %dma_wait3A_63] : memref<10000x128xf32, #tpu.memory_space<hbm>> -> memref<10000x128xf32, #tpu.memory_space<hbm>>
      tpu.wait_indirect_dma semaphore(%arg12 : memref<!tpu.dma_semaphore, #tpu.memory_space<semaphore_mem>>) src(%dma_wait3A_64 : memref<10000x128xf32, #tpu.memory_space<hbm>>) dst(%arg9 : memref<80x128xf32, #tpu.memory_space<vmem>>)
      "tpu.region"() ({
        %run_scoped3A = tpu.sem_alloc : memref<!tpu.dma_semaphore, #tpu.memory_space<semaphore_mem>>
        %dma_start3A_65 = arith.constant 0 : i32
        %dma_start3A_66 = tpu.memref_slice %arg8[%scan3A_56, %dma_start3A_65] : memref<250x80xi32, #tpu.memory_space<vmem>> -> memref<1x80xi32, #tpu.memory_space<vmem>>
        %dma_start3A_67 = tpu.memref_squeeze %dma_start3A_66 : memref<1x80xi32, #tpu.memory_space<vmem>> -> memref<80xi32, #tpu.memory_space<vmem>>
        %dma_start3A_68 = arith.constant 0 : i32
        %dma_start3A_69 = arith.constant 0 : i32
        %dma_start3A_70 = tpu.memref_slice %arg11[%dma_start3A_68, %dma_start3A_69] : memref<5128x128xf32, #tpu.memory_space<vmem_shared>> -> memref<5128x128xf32, #tpu.memory_space<vmem_shared>>
        tpu.enqueue_indirect_dma source(%arg9 : memref<80x128xf32, #tpu.memory_space<vmem>>) target(%dma_start3A_70 : memref<5128x128xf32, #tpu.memory_space<vmem_shared>>) offsets(%dma_start3A_67 : memref<80xi32, #tpu.memory_space<vmem>>) semaphore(%run_scoped3A : memref<!tpu.dma_semaphore, #tpu.memory_space<semaphore_mem>>) {add = true}
        %dma_wait3A_71 = arith.constant 0 : i32
        %dma_wait3A_72 = tpu.memref_slice %arg8[%scan3A_56, %dma_wait3A_71] : memref<250x80xi32, #tpu.memory_space<vmem>> -> memref<1x80xi32, #tpu.memory_space<vmem>>
        %dma_wait3A_73 = tpu.memref_squeeze %dma_wait3A_72 : memref<1x80xi32, #tpu.memory_space<vmem>> -> memref<80xi32, #tpu.memory_space<vmem>>
        %dma_wait3A_74 = arith.constant 0 : i32
        %dma_wait3A_75 = arith.constant 0 : i32
        %dma_wait3A_76 = tpu.memref_slice %arg11[%dma_wait3A_74, %dma_wait3A_75] : memref<5128x128xf32, #tpu.memory_space<vmem_shared>> -> memref<5128x128xf32, #tpu.memory_space<vmem_shared>>
        tpu.wait_indirect_dma semaphore(%run_scoped3A : memref<!tpu.dma_semaphore, #tpu.memory_space<semaphore_mem>>) src(%arg9 : memref<80x128xf32, #tpu.memory_space<vmem>>) dst(%dma_wait3A_76 : memref<5128x128xf32, #tpu.memory_space<vmem_shared>>)
        tpu.yield
      }) : () -> ()
    }
    %scan3A_34 = arith.constant 250 : i32
    %barrier3A_35 = arith.constant 0 : index
    tpu.barrier barrier_id(%barrier3A_35)
    %mul3A_36 = arith.constant 320 : i32
    %mul3A_37 = arith.muli %arg1, %mul3A_36 : i32
    %add3A_38 = arith.constant 0 : i32
    %add3A_39 = arith.addi %mul3A_37, %add3A_38 : i32
    "tpu.region"() ({
      %run_scoped3A = tpu.sem_alloc : memref<!tpu.dma_semaphore, #tpu.memory_space<semaphore_mem>>
      %dma_start3A = arith.constant 0 : i32
      %dma_start3A_56 = tpu.memref_slice %arg11[%add3A_39, %dma_start3A] : memref<5128x128xf32, #tpu.memory_space<vmem_shared>> -> memref<64x128xf32, #tpu.memory_space<vmem_shared>>
      %dma_start3A_57 = arith.constant 0 : i32
      %dma_start3A_58 = tpu.memref_slice %arg11[%add3A_39, %dma_start3A_57] : memref<5128x128xf32, #tpu.memory_space<vmem_shared>> -> memref<64x128xf32, #tpu.memory_space<vmem_shared>>
      tpu.enqueue_dma source(%dma_start3A_58 : memref<64x128xf32, #tpu.memory_space<vmem_shared>>) target(%arg10 : memref<64x128xf32, #tpu.memory_space<vmem>>) target_semaphore(%run_scoped3A : memref<!tpu.dma_semaphore, #tpu.memory_space<semaphore_mem>>)
      %dma_wait3A = arith.constant 0 : i32
      %dma_wait3A_59 = tpu.memref_slice %arg11[%add3A_39, %dma_wait3A] : memref<5128x128xf32, #tpu.memory_space<vmem_shared>> -> memref<64x128xf32, #tpu.memory_space<vmem_shared>>
      %dma_wait3A_60 = arith.constant 0 : i32
      %dma_wait3A_61 = tpu.memref_slice %arg11[%add3A_39, %dma_wait3A_60] : memref<5128x128xf32, #tpu.memory_space<vmem_shared>> -> memref<64x128xf32, #tpu.memory_space<vmem_shared>>
      tpu.wait_dma2 semaphore(%run_scoped3A : memref<!tpu.dma_semaphore, #tpu.memory_space<semaphore_mem>>) src(%dma_wait3A_61 : memref<64x128xf32, #tpu.memory_space<vmem_shared>>) dst(%arg10 : memref<64x128xf32, #tpu.memory_space<vmem>>)
      tpu.yield
    }) : () -> ()
    "tpu.region"() ({
      %run_scoped3A = tpu.sem_alloc : memref<!tpu.dma_semaphore, #tpu.memory_space<semaphore_mem>>
      %dma_start3A = arith.constant 0 : i32
      %dma_start3A_56 = arith.constant 0 : i32
      %dma_start3A_57 = tpu.memref_slice %arg6[%arg0, %dma_start3A, %dma_start3A_56] : memref<2x5120x128xf32, #tpu.memory_space<hbm>> -> memref<1x5120x128xf32, #tpu.memory_space<hbm>>
      %dma_start3A_58 = tpu.memref_squeeze %dma_start3A_57 : memref<1x5120x128xf32, #tpu.memory_space<hbm>> -> memref<5120x128xf32, #tpu.memory_space<hbm>>
      %dma_start3A_59 = arith.constant 0 : i32
      %dma_start3A_60 = tpu.memref_slice %dma_start3A_58[%add3A_39, %dma_start3A_59] : memref<5120x128xf32, #tpu.memory_space<hbm>> -> memref<64x128xf32, #tpu.memory_space<hbm>>
      %dma_start3A_61 = arith.constant 0 : i32
      %dma_start3A_62 = arith.constant 0 : i32
      %dma_start3A_63 = tpu.memref_slice %arg6[%arg0, %dma_start3A_61, %dma_start3A_62] : memref<2x5120x128xf32, #tpu.memory_space<hbm>> -> memref<1x5120x128xf32, #tpu.memory_space<hbm>>
      %dma_start3A_64 = tpu.memref_squeeze %dma_start3A_63 : memref<1x5120x128xf32, #tpu.memory_space<hbm>> -> memref<5120x128xf32, #tpu.memory_space<hbm>>
      %dma_start3A_65 = arith.constant 0 : i32
      %dma_start3A_66 = tpu.memref_slice %dma_start3A_64[%add3A_39, %dma_start3A_65] : memref<5120x128xf32, #tpu.memory_space<hbm>> -> memref<64x128xf32, #tpu.memory_space<hbm>>
      tpu.enqueue_dma source(%arg10 : memref<64x128xf32, #tpu.memory_space<vmem>>) target(%dma_start3A_66 : memref<64x128xf32, #tpu.memory_space<hbm>>) target_semaphore(%run_scoped3A : memref<!tpu.dma_semaphore, #tpu.memory_space<semaphore_mem>>)
      %dma_wait3A = arith.constant 0 : i32
      %dma_wait3A_67 = arith.constant 0 : i32
      %dma_wait3A_68 = tpu.memref_slice %arg6[%arg0, %dma_wait3A, %dma_wait3A_67] : memref<2x5120x128xf32, #tpu.memory_space<hbm>> -> memref<1x5120x128xf32, #tpu.memory_space<hbm>>
      %dma_wait3A_69 = tpu.memref_squeeze %dma_wait3A_68 : memref<1x5120x128xf32, #tpu.memory_space<hbm>> -> memref<5120x128xf32, #tpu.memory_space<hbm>>
      %dma_wait3A_70 = arith.constant 0 : i32
      %dma_wait3A_71 = tpu.memref_slice %dma_wait3A_69[%add3A_39, %dma_wait3A_70] : memref<5120x128xf32, #tpu.memory_space<hbm>> -> memref<64x128xf32, #tpu.memory_space<hbm>>
      %dma_wait3A_72 = arith.constant 0 : i32
      %dma_wait3A_73 = arith.constant 0 : i32
      %dma_wait3A_74 = tpu.memref_slice %arg6[%arg0, %dma_wait3A_72, %dma_wait3A_73] : memref<2x5120x128xf32, #tpu.memory_space<hbm>> -> memref<1x5120x128xf32, #tpu.memory_space<hbm>>
      %dma_wait3A_75 = tpu.memref_squeeze %dma_wait3A_74 : memref<1x5120x128xf32, #tpu.memory_space<hbm>> -> memref<5120x128xf32, #tpu.memory_space<hbm>>
      %dma_wait3A_76 = arith.constant 0 : i32
      %dma_wait3A_77 = tpu.memref_slice %dma_wait3A_75[%add3A_39, %dma_wait3A_76] : memref<5120x128xf32, #tpu.memory_space<hbm>> -> memref<64x128xf32, #tpu.memory_space<hbm>>
      tpu.wait_dma2 semaphore(%run_scoped3A : memref<!tpu.dma_semaphore, #tpu.memory_space<semaphore_mem>>) src(%arg10 : memref<64x128xf32, #tpu.memory_space<vmem>>) dst(%dma_wait3A_77 : memref<64x128xf32, #tpu.memory_space<hbm>>)
      tpu.yield
    }) : () -> ()
    %mul3A_40 = arith.constant 320 : i32
    %mul3A_41 = arith.muli %arg1, %mul3A_40 : i32
    %add3A_42 = arith.constant 64 : i32
    %add3A_43 = arith.addi %mul3A_41, %add3A_42 : i32
    "tpu.region"() ({
      %run_scoped3A = tpu.sem_alloc : memref<!tpu.dma_semaphore, #tpu.memory_space<semaphore_mem>>
      %dma_start3A = arith.constant 0 : i32
      %dma_start3A_56 = tpu.memref_slice %arg11[%add3A_43, %dma_start3A] : memref<5128x128xf32, #tpu.memory_space<vmem_shared>> -> memref<64x128xf32, #tpu.memory_space<vmem_shared>>
      %dma_start3A_57 = arith.constant 0 : i32
      %dma_start3A_58 = tpu.memref_slice %arg11[%add3A_43, %dma_start3A_57] : memref<5128x128xf32, #tpu.memory_space<vmem_shared>> -> memref<64x128xf32, #tpu.memory_space<vmem_shared>>
      tpu.enqueue_dma source(%dma_start3A_58 : memref<64x128xf32, #tpu.memory_space<vmem_shared>>) target(%arg10 : memref<64x128xf32, #tpu.memory_space<vmem>>) target_semaphore(%run_scoped3A : memref<!tpu.dma_semaphore, #tpu.memory_space<semaphore_mem>>)
      %dma_wait3A = arith.constant 0 : i32
      %dma_wait3A_59 = tpu.memref_slice %arg11[%add3A_43, %dma_wait3A] : memref<5128x128xf32, #tpu.memory_space<vmem_shared>> -> memref<64x128xf32, #tpu.memory_space<vmem_shared>>
      %dma_wait3A_60 = arith.constant 0 : i32
      %dma_wait3A_61 = tpu.memref_slice %arg11[%add3A_43, %dma_wait3A_60] : memref<5128x128xf32, #tpu.memory_space<vmem_shared>> -> memref<64x128xf32, #tpu.memory_space<vmem_shared>>
      tpu.wait_dma2 semaphore(%run_scoped3A : memref<!tpu.dma_semaphore, #tpu.memory_space<semaphore_mem>>) src(%dma_wait3A_61 : memref<64x128xf32, #tpu.memory_space<vmem_shared>>) dst(%arg10 : memref<64x128xf32, #tpu.memory_space<vmem>>)
      tpu.yield
    }) : () -> ()
    "tpu.region"() ({
      %run_scoped3A = tpu.sem_alloc : memref<!tpu.dma_semaphore, #tpu.memory_space<semaphore_mem>>
      %dma_start3A = arith.constant 0 : i32
      %dma_start3A_56 = arith.constant 0 : i32
      %dma_start3A_57 = tpu.memref_slice %arg6[%arg0, %dma_start3A, %dma_start3A_56] : memref<2x5120x128xf32, #tpu.memory_space<hbm>> -> memref<1x5120x128xf32, #tpu.memory_space<hbm>>
      %dma_start3A_58 = tpu.memref_squeeze %dma_start3A_57 : memref<1x5120x128xf32, #tpu.memory_space<hbm>> -> memref<5120x128xf32, #tpu.memory_space<hbm>>
      %dma_start3A_59 = arith.constant 0 : i32
      %dma_start3A_60 = tpu.memref_slice %dma_start3A_58[%add3A_43, %dma_start3A_59] : memref<5120x128xf32, #tpu.memory_space<hbm>> -> memref<64x128xf32, #tpu.memory_space<hbm>>
      %dma_start3A_61 = arith.constant 0 : i32
      %dma_start3A_62 = arith.constant 0 : i32
      %dma_start3A_63 = tpu.memref_slice %arg6[%arg0, %dma_start3A_61, %dma_start3A_62] : memref<2x5120x128xf32, #tpu.memory_space<hbm>> -> memref<1x5120x128xf32, #tpu.memory_space<hbm>>
      %dma_start3A_64 = tpu.memref_squeeze %dma_start3A_63 : memref<1x5120x128xf32, #tpu.memory_space<hbm>> -> memref<5120x128xf32, #tpu.memory_space<hbm>>
      %dma_start3A_65 = arith.constant 0 : i32
      %dma_start3A_66 = tpu.memref_slice %dma_start3A_64[%add3A_43, %dma_start3A_65] : memref<5120x128xf32, #tpu.memory_space<hbm>> -> memref<64x128xf32, #tpu.memory_space<hbm>>
      tpu.enqueue_dma source(%arg10 : memref<64x128xf32, #tpu.memory_space<vmem>>) target(%dma_start3A_66 : memref<64x128xf32, #tpu.memory_space<hbm>>) target_semaphore(%run_scoped3A : memref<!tpu.dma_semaphore, #tpu.memory_space<semaphore_mem>>)
      %dma_wait3A = arith.constant 0 : i32
      %dma_wait3A_67 = arith.constant 0 : i32
      %dma_wait3A_68 = tpu.memref_slice %arg6[%arg0, %dma_wait3A, %dma_wait3A_67] : memref<2x5120x128xf32, #tpu.memory_space<hbm>> -> memref<1x5120x128xf32, #tpu.memory_space<hbm>>
      %dma_wait3A_69 = tpu.memref_squeeze %dma_wait3A_68 : memref<1x5120x128xf32, #tpu.memory_space<hbm>> -> memref<5120x128xf32, #tpu.memory_space<hbm>>
      %dma_wait3A_70 = arith.constant 0 : i32
      %dma_wait3A_71 = tpu.memref_slice %dma_wait3A_69[%add3A_43, %dma_wait3A_70] : memref<5120x128xf32, #tpu.memory_space<hbm>> -> memref<64x128xf32, #tpu.memory_space<hbm>>
      %dma_wait3A_72 = arith.constant 0 : i32
      %dma_wait3A_73 = arith.constant 0 : i32
      %dma_wait3A_74 = tpu.memref_slice %arg6[%arg0, %dma_wait3A_72, %dma_wait3A_73] : memref<2x5120x128xf32, #tpu.memory_space<hbm>> -> memref<1x5120x128xf32, #tpu.memory_space<hbm>>
      %dma_wait3A_75 = tpu.memref_squeeze %dma_wait3A_74 : memref<1x5120x128xf32, #tpu.memory_space<hbm>> -> memref<5120x128xf32, #tpu.memory_space<hbm>>
      %dma_wait3A_76 = arith.constant 0 : i32
      %dma_wait3A_77 = tpu.memref_slice %dma_wait3A_75[%add3A_43, %dma_wait3A_76] : memref<5120x128xf32, #tpu.memory_space<hbm>> -> memref<64x128xf32, #tpu.memory_space<hbm>>
      tpu.wait_dma2 semaphore(%run_scoped3A : memref<!tpu.dma_semaphore, #tpu.memory_space<semaphore_mem>>) src(%arg10 : memref<64x128xf32, #tpu.memory_space<vmem>>) dst(%dma_wait3A_77 : memref<64x128xf32, #tpu.memory_space<hbm>>)
      tpu.yield
    }) : () -> ()
    %mul3A_44 = arith.constant 320 : i32
    %mul3A_45 = arith.muli %arg1, %mul3A_44 : i32
    %add3A_46 = arith.constant 128 : i32
    %add3A_47 = arith.addi %mul3A_45, %add3A_46 : i32
    "tpu.region"() ({
      %run_scoped3A = tpu.sem_alloc : memref<!tpu.dma_semaphore, #tpu.memory_space<semaphore_mem>>
      %dma_start3A = arith.constant 0 : i32
      %dma_start3A_56 = tpu.memref_slice %arg11[%add3A_47, %dma_start3A] : memref<5128x128xf32, #tpu.memory_space<vmem_shared>> -> memref<64x128xf32, #tpu.memory_space<vmem_shared>>
      %dma_start3A_57 = arith.constant 0 : i32
      %dma_start3A_58 = tpu.memref_slice %arg11[%add3A_47, %dma_start3A_57] : memref<5128x128xf32, #tpu.memory_space<vmem_shared>> -> memref<64x128xf32, #tpu.memory_space<vmem_shared>>
      tpu.enqueue_dma source(%dma_start3A_58 : memref<64x128xf32, #tpu.memory_space<vmem_shared>>) target(%arg10 : memref<64x128xf32, #tpu.memory_space<vmem>>) target_semaphore(%run_scoped3A : memref<!tpu.dma_semaphore, #tpu.memory_space<semaphore_mem>>)
      %dma_wait3A = arith.constant 0 : i32
      %dma_wait3A_59 = tpu.memref_slice %arg11[%add3A_47, %dma_wait3A] : memref<5128x128xf32, #tpu.memory_space<vmem_shared>> -> memref<64x128xf32, #tpu.memory_space<vmem_shared>>
      %dma_wait3A_60 = arith.constant 0 : i32
      %dma_wait3A_61 = tpu.memref_slice %arg11[%add3A_47, %dma_wait3A_60] : memref<5128x128xf32, #tpu.memory_space<vmem_shared>> -> memref<64x128xf32, #tpu.memory_space<vmem_shared>>
      tpu.wait_dma2 semaphore(%run_scoped3A : memref<!tpu.dma_semaphore, #tpu.memory_space<semaphore_mem>>) src(%dma_wait3A_61 : memref<64x128xf32, #tpu.memory_space<vmem_shared>>) dst(%arg10 : memref<64x128xf32, #tpu.memory_space<vmem>>)
      tpu.yield
    }) : () -> ()
    "tpu.region"() ({
      %run_scoped3A = tpu.sem_alloc : memref<!tpu.dma_semaphore, #tpu.memory_space<semaphore_mem>>
      %dma_start3A = arith.constant 0 : i32
      %dma_start3A_56 = arith.constant 0 : i32
      %dma_start3A_57 = tpu.memref_slice %arg6[%arg0, %dma_start3A, %dma_start3A_56] : memref<2x5120x128xf32, #tpu.memory_space<hbm>> -> memref<1x5120x128xf32, #tpu.memory_space<hbm>>
      %dma_start3A_58 = tpu.memref_squeeze %dma_start3A_57 : memref<1x5120x128xf32, #tpu.memory_space<hbm>> -> memref<5120x128xf32, #tpu.memory_space<hbm>>
      %dma_start3A_59 = arith.constant 0 : i32
      %dma_start3A_60 = tpu.memref_slice %dma_start3A_58[%add3A_47, %dma_start3A_59] : memref<5120x128xf32, #tpu.memory_space<hbm>> -> memref<64x128xf32, #tpu.memory_space<hbm>>
      %dma_start3A_61 = arith.constant 0 : i32
      %dma_start3A_62 = arith.constant 0 : i32
      %dma_start3A_63 = tpu.memref_slice %arg6[%arg0, %dma_start3A_61, %dma_start3A_62] : memref<2x5120x128xf32, #tpu.memory_space<hbm>> -> memref<1x5120x128xf32, #tpu.memory_space<hbm>>
      %dma_start3A_64 = tpu.memref_squeeze %dma_start3A_63 : memref<1x5120x128xf32, #tpu.memory_space<hbm>> -> memref<5120x128xf32, #tpu.memory_space<hbm>>
      %dma_start3A_65 = arith.constant 0 : i32
      %dma_start3A_66 = tpu.memref_slice %dma_start3A_64[%add3A_47, %dma_start3A_65] : memref<5120x128xf32, #tpu.memory_space<hbm>> -> memref<64x128xf32, #tpu.memory_space<hbm>>
      tpu.enqueue_dma source(%arg10 : memref<64x128xf32, #tpu.memory_space<vmem>>) target(%dma_start3A_66 : memref<64x128xf32, #tpu.memory_space<hbm>>) target_semaphore(%run_scoped3A : memref<!tpu.dma_semaphore, #tpu.memory_space<semaphore_mem>>)
      %dma_wait3A = arith.constant 0 : i32
      %dma_wait3A_67 = arith.constant 0 : i32
      %dma_wait3A_68 = tpu.memref_slice %arg6[%arg0, %dma_wait3A, %dma_wait3A_67] : memref<2x5120x128xf32, #tpu.memory_space<hbm>> -> memref<1x5120x128xf32, #tpu.memory_space<hbm>>
      %dma_wait3A_69 = tpu.memref_squeeze %dma_wait3A_68 : memref<1x5120x128xf32, #tpu.memory_space<hbm>> -> memref<5120x128xf32, #tpu.memory_space<hbm>>
      %dma_wait3A_70 = arith.constant 0 : i32
      %dma_wait3A_71 = tpu.memref_slice %dma_wait3A_69[%add3A_47, %dma_wait3A_70] : memref<5120x128xf32, #tpu.memory_space<hbm>> -> memref<64x128xf32, #tpu.memory_space<hbm>>
      %dma_wait3A_72 = arith.constant 0 : i32
      %dma_wait3A_73 = arith.constant 0 : i32
      %dma_wait3A_74 = tpu.memref_slice %arg6[%arg0, %dma_wait3A_72, %dma_wait3A_73] : memref<2x5120x128xf32, #tpu.memory_space<hbm>> -> memref<1x5120x128xf32, #tpu.memory_space<hbm>>
      %dma_wait3A_75 = tpu.memref_squeeze %dma_wait3A_74 : memref<1x5120x128xf32, #tpu.memory_space<hbm>> -> memref<5120x128xf32, #tpu.memory_space<hbm>>
      %dma_wait3A_76 = arith.constant 0 : i32
      %dma_wait3A_77 = tpu.memref_slice %dma_wait3A_75[%add3A_47, %dma_wait3A_76] : memref<5120x128xf32, #tpu.memory_space<hbm>> -> memref<64x128xf32, #tpu.memory_space<hbm>>
      tpu.wait_dma2 semaphore(%run_scoped3A : memref<!tpu.dma_semaphore, #tpu.memory_space<semaphore_mem>>) src(%arg10 : memref<64x128xf32, #tpu.memory_space<vmem>>) dst(%dma_wait3A_77 : memref<64x128xf32, #tpu.memory_space<hbm>>)
      tpu.yield
    }) : () -> ()
    %mul3A_48 = arith.constant 320 : i32
    %mul3A_49 = arith.muli %arg1, %mul3A_48 : i32
    %add3A_50 = arith.constant 192 : i32
    %add3A_51 = arith.addi %mul3A_49, %add3A_50 : i32
    "tpu.region"() ({
      %run_scoped3A = tpu.sem_alloc : memref<!tpu.dma_semaphore, #tpu.memory_space<semaphore_mem>>
      %dma_start3A = arith.constant 0 : i32
      %dma_start3A_56 = tpu.memref_slice %arg11[%add3A_51, %dma_start3A] : memref<5128x128xf32, #tpu.memory_space<vmem_shared>> -> memref<64x128xf32, #tpu.memory_space<vmem_shared>>
      %dma_start3A_57 = arith.constant 0 : i32
      %dma_start3A_58 = tpu.memref_slice %arg11[%add3A_51, %dma_start3A_57] : memref<5128x128xf32, #tpu.memory_space<vmem_shared>> -> memref<64x128xf32, #tpu.memory_space<vmem_shared>>
      tpu.enqueue_dma source(%dma_start3A_58 : memref<64x128xf32, #tpu.memory_space<vmem_shared>>) target(%arg10 : memref<64x128xf32, #tpu.memory_space<vmem>>) target_semaphore(%run_scoped3A : memref<!tpu.dma_semaphore, #tpu.memory_space<semaphore_mem>>)
      %dma_wait3A = arith.constant 0 : i32
      %dma_wait3A_59 = tpu.memref_slice %arg11[%add3A_51, %dma_wait3A] : memref<5128x128xf32, #tpu.memory_space<vmem_shared>> -> memref<64x128xf32, #tpu.memory_space<vmem_shared>>
      %dma_wait3A_60 = arith.constant 0 : i32
      %dma_wait3A_61 = tpu.memref_slice %arg11[%add3A_51, %dma_wait3A_60] : memref<5128x128xf32, #tpu.memory_space<vmem_shared>> -> memref<64x128xf32, #tpu.memory_space<vmem_shared>>
      tpu.wait_dma2 semaphore(%run_scoped3A : memref<!tpu.dma_semaphore, #tpu.memory_space<semaphore_mem>>) src(%dma_wait3A_61 : memref<64x128xf32, #tpu.memory_space<vmem_shared>>) dst(%arg10 : memref<64x128xf32, #tpu.memory_space<vmem>>)
      tpu.yield
    }) : () -> ()
    "tpu.region"() ({
      %run_scoped3A = tpu.sem_alloc : memref<!tpu.dma_semaphore, #tpu.memory_space<semaphore_mem>>
      %dma_start3A = arith.constant 0 : i32
      %dma_start3A_56 = arith.constant 0 : i32
      %dma_start3A_57 = tpu.memref_slice %arg6[%arg0, %dma_start3A, %dma_start3A_56] : memref<2x5120x128xf32, #tpu.memory_space<hbm>> -> memref<1x5120x128xf32, #tpu.memory_space<hbm>>
      %dma_start3A_58 = tpu.memref_squeeze %dma_start3A_57 : memref<1x5120x128xf32, #tpu.memory_space<hbm>> -> memref<5120x128xf32, #tpu.memory_space<hbm>>
      %dma_start3A_59 = arith.constant 0 : i32
      %dma_start3A_60 = tpu.memref_slice %dma_start3A_58[%add3A_51, %dma_start3A_59] : memref<5120x128xf32, #tpu.memory_space<hbm>> -> memref<64x128xf32, #tpu.memory_space<hbm>>
      %dma_start3A_61 = arith.constant 0 : i32
      %dma_start3A_62 = arith.constant 0 : i32
      %dma_start3A_63 = tpu.memref_slice %arg6[%arg0, %dma_start3A_61, %dma_start3A_62] : memref<2x5120x128xf32, #tpu.memory_space<hbm>> -> memref<1x5120x128xf32, #tpu.memory_space<hbm>>
      %dma_start3A_64 = tpu.memref_squeeze %dma_start3A_63 : memref<1x5120x128xf32, #tpu.memory_space<hbm>> -> memref<5120x128xf32, #tpu.memory_space<hbm>>
      %dma_start3A_65 = arith.constant 0 : i32
      %dma_start3A_66 = tpu.memref_slice %dma_start3A_64[%add3A_51, %dma_start3A_65] : memref<5120x128xf32, #tpu.memory_space<hbm>> -> memref<64x128xf32, #tpu.memory_space<hbm>>
      tpu.enqueue_dma source(%arg10 : memref<64x128xf32, #tpu.memory_space<vmem>>) target(%dma_start3A_66 : memref<64x128xf32, #tpu.memory_space<hbm>>) target_semaphore(%run_scoped3A : memref<!tpu.dma_semaphore, #tpu.memory_space<semaphore_mem>>)
      %dma_wait3A = arith.constant 0 : i32
      %dma_wait3A_67 = arith.constant 0 : i32
      %dma_wait3A_68 = tpu.memref_slice %arg6[%arg0, %dma_wait3A, %dma_wait3A_67] : memref<2x5120x128xf32, #tpu.memory_space<hbm>> -> memref<1x5120x128xf32, #tpu.memory_space<hbm>>
      %dma_wait3A_69 = tpu.memref_squeeze %dma_wait3A_68 : memref<1x5120x128xf32, #tpu.memory_space<hbm>> -> memref<5120x128xf32, #tpu.memory_space<hbm>>
      %dma_wait3A_70 = arith.constant 0 : i32
      %dma_wait3A_71 = tpu.memref_slice %dma_wait3A_69[%add3A_51, %dma_wait3A_70] : memref<5120x128xf32, #tpu.memory_space<hbm>> -> memref<64x128xf32, #tpu.memory_space<hbm>>
      %dma_wait3A_72 = arith.constant 0 : i32
      %dma_wait3A_73 = arith.constant 0 : i32
      %dma_wait3A_74 = tpu.memref_slice %arg6[%arg0, %dma_wait3A_72, %dma_wait3A_73] : memref<2x5120x128xf32, #tpu.memory_space<hbm>> -> memref<1x5120x128xf32, #tpu.memory_space<hbm>>
      %dma_wait3A_75 = tpu.memref_squeeze %dma_wait3A_74 : memref<1x5120x128xf32, #tpu.memory_space<hbm>> -> memref<5120x128xf32, #tpu.memory_space<hbm>>
      %dma_wait3A_76 = arith.constant 0 : i32
      %dma_wait3A_77 = tpu.memref_slice %dma_wait3A_75[%add3A_51, %dma_wait3A_76] : memref<5120x128xf32, #tpu.memory_space<hbm>> -> memref<64x128xf32, #tpu.memory_space<hbm>>
      tpu.wait_dma2 semaphore(%run_scoped3A : memref<!tpu.dma_semaphore, #tpu.memory_space<semaphore_mem>>) src(%arg10 : memref<64x128xf32, #tpu.memory_space<vmem>>) dst(%dma_wait3A_77 : memref<64x128xf32, #tpu.memory_space<hbm>>)
      tpu.yield
    }) : () -> ()
    %mul3A_52 = arith.constant 320 : i32
    %mul3A_53 = arith.muli %arg1, %mul3A_52 : i32
    %add3A_54 = arith.constant 256 : i32
    %add3A_55 = arith.addi %mul3A_53, %add3A_54 : i32
    "tpu.region"() ({
      %run_scoped3A = tpu.sem_alloc : memref<!tpu.dma_semaphore, #tpu.memory_space<semaphore_mem>>
      %dma_start3A = arith.constant 0 : i32
      %dma_start3A_56 = tpu.memref_slice %arg11[%add3A_55, %dma_start3A] : memref<5128x128xf32, #tpu.memory_space<vmem_shared>> -> memref<64x128xf32, #tpu.memory_space<vmem_shared>>
      %dma_start3A_57 = arith.constant 0 : i32
      %dma_start3A_58 = tpu.memref_slice %arg11[%add3A_55, %dma_start3A_57] : memref<5128x128xf32, #tpu.memory_space<vmem_shared>> -> memref<64x128xf32, #tpu.memory_space<vmem_shared>>
      tpu.enqueue_dma source(%dma_start3A_58 : memref<64x128xf32, #tpu.memory_space<vmem_shared>>) target(%arg10 : memref<64x128xf32, #tpu.memory_space<vmem>>) target_semaphore(%run_scoped3A : memref<!tpu.dma_semaphore, #tpu.memory_space<semaphore_mem>>)
      %dma_wait3A = arith.constant 0 : i32
      %dma_wait3A_59 = tpu.memref_slice %arg11[%add3A_55, %dma_wait3A] : memref<5128x128xf32, #tpu.memory_space<vmem_shared>> -> memref<64x128xf32, #tpu.memory_space<vmem_shared>>
      %dma_wait3A_60 = arith.constant 0 : i32
      %dma_wait3A_61 = tpu.memref_slice %arg11[%add3A_55, %dma_wait3A_60] : memref<5128x128xf32, #tpu.memory_space<vmem_shared>> -> memref<64x128xf32, #tpu.memory_space<vmem_shared>>
      tpu.wait_dma2 semaphore(%run_scoped3A : memref<!tpu.dma_semaphore, #tpu.memory_space<semaphore_mem>>) src(%dma_wait3A_61 : memref<64x128xf32, #tpu.memory_space<vmem_shared>>) dst(%arg10 : memref<64x128xf32, #tpu.memory_space<vmem>>)
      tpu.yield
    }) : () -> ()
    "tpu.region"() ({
      %run_scoped3A = tpu.sem_alloc : memref<!tpu.dma_semaphore, #tpu.memory_space<semaphore_mem>>
      %dma_start3A = arith.constant 0 : i32
      %dma_start3A_56 = arith.constant 0 : i32
      %dma_start3A_57 = tpu.memref_slice %arg6[%arg0, %dma_start3A, %dma_start3A_56] : memref<2x5120x128xf32, #tpu.memory_space<hbm>> -> memref<1x5120x128xf32, #tpu.memory_space<hbm>>
      %dma_start3A_58 = tpu.memref_squeeze %dma_start3A_57 : memref<1x5120x128xf32, #tpu.memory_space<hbm>> -> memref<5120x128xf32, #tpu.memory_space<hbm>>
      %dma_start3A_59 = arith.constant 0 : i32
      %dma_start3A_60 = tpu.memref_slice %dma_start3A_58[%add3A_55, %dma_start3A_59] : memref<5120x128xf32, #tpu.memory_space<hbm>> -> memref<64x128xf32, #tpu.memory_space<hbm>>
      %dma_start3A_61 = arith.constant 0 : i32
      %dma_start3A_62 = arith.constant 0 : i32
      %dma_start3A_63 = tpu.memref_slice %arg6[%arg0, %dma_start3A_61, %dma_start3A_62] : memref<2x5120x128xf32, #tpu.memory_space<hbm>> -> memref<1x5120x128xf32, #tpu.memory_space<hbm>>
      %dma_start3A_64 = tpu.memref_squeeze %dma_start3A_63 : memref<1x5120x128xf32, #tpu.memory_space<hbm>> -> memref<5120x128xf32, #tpu.memory_space<hbm>>
      %dma_start3A_65 = arith.constant 0 : i32
      %dma_start3A_66 = tpu.memref_slice %dma_start3A_64[%add3A_55, %dma_start3A_65] : memref<5120x128xf32, #tpu.memory_space<hbm>> -> memref<64x128xf32, #tpu.memory_space<hbm>>
      tpu.enqueue_dma source(%arg10 : memref<64x128xf32, #tpu.memory_space<vmem>>) target(%dma_start3A_66 : memref<64x128xf32, #tpu.memory_space<hbm>>) target_semaphore(%run_scoped3A : memref<!tpu.dma_semaphore, #tpu.memory_space<semaphore_mem>>)
      %dma_wait3A = arith.constant 0 : i32
      %dma_wait3A_67 = arith.constant 0 : i32
      %dma_wait3A_68 = tpu.memref_slice %arg6[%arg0, %dma_wait3A, %dma_wait3A_67] : memref<2x5120x128xf32, #tpu.memory_space<hbm>> -> memref<1x5120x128xf32, #tpu.memory_space<hbm>>
      %dma_wait3A_69 = tpu.memref_squeeze %dma_wait3A_68 : memref<1x5120x128xf32, #tpu.memory_space<hbm>> -> memref<5120x128xf32, #tpu.memory_space<hbm>>
      %dma_wait3A_70 = arith.constant 0 : i32
      %dma_wait3A_71 = tpu.memref_slice %dma_wait3A_69[%add3A_55, %dma_wait3A_70] : memref<5120x128xf32, #tpu.memory_space<hbm>> -> memref<64x128xf32, #tpu.memory_space<hbm>>
      %dma_wait3A_72 = arith.constant 0 : i32
      %dma_wait3A_73 = arith.constant 0 : i32
      %dma_wait3A_74 = tpu.memref_slice %arg6[%arg0, %dma_wait3A_72, %dma_wait3A_73] : memref<2x5120x128xf32, #tpu.memory_space<hbm>> -> memref<1x5120x128xf32, #tpu.memory_space<hbm>>
      %dma_wait3A_75 = tpu.memref_squeeze %dma_wait3A_74 : memref<1x5120x128xf32, #tpu.memory_space<hbm>> -> memref<5120x128xf32, #tpu.memory_space<hbm>>
      %dma_wait3A_76 = arith.constant 0 : i32
      %dma_wait3A_77 = tpu.memref_slice %dma_wait3A_75[%add3A_55, %dma_wait3A_76] : memref<5120x128xf32, #tpu.memory_space<hbm>> -> memref<64x128xf32, #tpu.memory_space<hbm>>
      tpu.wait_dma2 semaphore(%run_scoped3A : memref<!tpu.dma_semaphore, #tpu.memory_space<semaphore_mem>>) src(%arg10 : memref<64x128xf32, #tpu.memory_space<vmem>>) dst(%dma_wait3A_77 : memref<64x128xf32, #tpu.memory_space<hbm>>)
      tpu.yield
    }) : () -> ()
    return
  }
}

module attributes {stable_mosaic.version = 14 : i64} {
  func.func @_norm_body(%arg0: i32, %arg1: memref<2x1000x1xf32, #tpu.memory_space<vmem>>, %arg2: memref<1000x128xf32, #tpu.memory_space<vmem>>, %arg3: memref<1000x128xf32, #tpu.memory_space<vmem>>, %arg4: memref<1000x1xf32, #tpu.memory_space<vmem>>) attributes {dimension_semantics = [#tpu.dimension_semantics<arbitrary>], iteration_bounds = array<i64: 10>, scalar_prefetch = 0 : i64, scratch_operands = 0 : i64, tpu.core_type = #tpu.core_type<tc>, window_params = [{transform_indices = @transform_0, window_bounds = array<i64: 2, 1000, 1>}, {transform_indices = @transform_1, window_bounds = array<i64: 1000, 128>}, {transform_indices = @transform_2, window_bounds = array<i64: 1000, 128>}, {transform_indices = @transform_3, window_bounds = array<i64: 1000, 1>}]} {
    %get3A = arith.constant 0 : index
    %get3A_0 = arith.constant 0 : index
    %get3A_1 = arith.constant 0 : index
    %get3A_2 = vector.load %arg1[%get3A, %get3A_0, %get3A_1] : memref<2x1000x1xf32, #tpu.memory_space<vmem>>, vector<1x1000x1xf32>
    %get3A_3 = vector.shape_cast %get3A_2 : vector<1x1000x1xf32> to vector<1000x1xf32>
    %get3A_4 = arith.constant 1 : index
    %get3A_5 = arith.constant 0 : index
    %get3A_6 = arith.constant 0 : index
    %get3A_7 = vector.load %arg1[%get3A_4, %get3A_5, %get3A_6] : memref<2x1000x1xf32, #tpu.memory_space<vmem>>, vector<1x1000x1xf32>
    %get3A_8 = vector.shape_cast %get3A_7 : vector<1x1000x1xf32> to vector<1000x1xf32>
    %add3A = arith.addf %get3A_3, %get3A_8 : vector<1000x1xf32>
    %max3A = arith.constant 1.000000e+00 : f32
    %max3A_9 = vector.broadcast %max3A : f32 to vector<1000x1xf32>
    %max3A_10 = arith.maximumf %add3A, %max3A_9 : vector<1000x1xf32>
    %rsqrt3A = math.rsqrt %max3A_10 : vector<1000x1xf32>
    %swap3A = arith.constant 0 : index
    %swap3A_11 = arith.constant 0 : index
    %swap3A_12 = vector.load %arg4[%swap3A, %swap3A_11] : memref<1000x1xf32, #tpu.memory_space<vmem>>, vector<1000x1xf32>
    tpu.vector_store %arg4[%swap3A, %swap3A_11], %rsqrt3A {strides = array<i32>} : memref<1000x1xf32, #tpu.memory_space<vmem>>, vector<1000x1xf32>,
    %get3A_13 = arith.constant 0 : index
    %get3A_14 = arith.constant 0 : index
    %get3A_15 = vector.load %arg2[%get3A_13, %get3A_14] : memref<1000x128xf32, #tpu.memory_space<vmem>>, vector<1000x128xf32>
    %mul3A = vector.broadcast %rsqrt3A : vector<1000x1xf32> to vector<1000x128xf32>
    %mul3A_16 = arith.mulf %get3A_15, %mul3A : vector<1000x128xf32>
    %swap3A_17 = arith.constant 0 : index
    %swap3A_18 = arith.constant 0 : index
    %swap3A_19 = vector.load %arg3[%swap3A_17, %swap3A_18] : memref<1000x128xf32, #tpu.memory_space<vmem>>, vector<1000x128xf32>
    tpu.vector_store %arg3[%swap3A_17, %swap3A_18], %mul3A_16 {strides = array<i32>} : memref<1000x128xf32, #tpu.memory_space<vmem>>, vector<1000x128xf32>,
    return
  }
  func.func @transform_0(%arg0: i32) -> (i32, i32, i32) {
    %c0_i32 = arith.constant 0 : i32
    %c0_i32_0 = arith.constant 0 : i32
    %c0_i32_1 = arith.constant 0 : i32
    return %c0_i32, %arg0, %c0_i32_0 : i32, i32, i32
  }
  func.func @transform_1(%arg0: i32) -> (i32, i32) {
    %c0_i32 = arith.constant 0 : i32
    %c0_i32_0 = arith.constant 0 : i32
    return %arg0, %c0_i32 : i32, i32
  }
  func.func @transform_2(%arg0: i32) -> (i32, i32) {
    %c0_i32 = arith.constant 0 : i32
    %c0_i32_0 = arith.constant 0 : i32
    return %arg0, %c0_i32 : i32, i32
  }
  func.func @transform_3(%arg0: i32) -> (i32, i32) {
    %c0_i32 = arith.constant 0 : i32
    %c0_i32_0 = arith.constant 0 : i32
    return %arg0, %c0_i32 : i32, i32
  }
}

module attributes {stable_mosaic.version = 14 : i64} {
  func.func @_mm_body(%arg0: i32, %arg1: memref<1000x128xf32, #tpu.memory_space<vmem>>, %arg2: memref<1000x1xf32, #tpu.memory_space<vmem>>, %arg3: memref<128x128xf32, #tpu.memory_space<vmem>>, %arg4: memref<1x128xf32, #tpu.memory_space<vmem>>, %arg5: memref<1000x128xf32, #tpu.memory_space<vmem>>) attributes {dimension_semantics = [#tpu.dimension_semantics<arbitrary>], iteration_bounds = array<i64: 10>, scalar_prefetch = 0 : i64, scratch_operands = 0 : i64, tpu.core_type = #tpu.core_type<tc>, window_params = [{transform_indices = @transform_0, window_bounds = array<i64: 1000, 128>}, {transform_indices = @transform_1, window_bounds = array<i64: 1000, 1>}, {pipeline_mode = #tpu.pipeline_mode<synchronous>, transform_indices = @transform_2, window_bounds = array<i64: 128, 128>}, {pipeline_mode = #tpu.pipeline_mode<synchronous>, transform_indices = @transform_3, window_bounds = array<i64: 1, 128>}, {transform_indices = @transform_4, window_bounds = array<i64: 1000, 128>}]} {
    %get3A = arith.constant 0 : index
    %get3A_0 = arith.constant 0 : index
    %get3A_1 = vector.load %arg1[%get3A, %get3A_0] : memref<1000x128xf32, #tpu.memory_space<vmem>>, vector<1000x128xf32>
    %get3A_2 = arith.constant 0 : index
    %get3A_3 = arith.constant 0 : index
    %get3A_4 = vector.load %arg2[%get3A_2, %get3A_3] : memref<1000x1xf32, #tpu.memory_space<vmem>>, vector<1000x1xf32>
    %mul3A = vector.broadcast %get3A_4 : vector<1000x1xf32> to vector<1000x128xf32>
    %mul3A_5 = arith.mulf %get3A_1, %mul3A : vector<1000x128xf32>
    %get3A_6 = arith.constant 0 : index
    %get3A_7 = arith.constant 0 : index
    %get3A_8 = vector.load %arg3[%get3A_6, %get3A_7] : memref<128x128xf32, #tpu.memory_space<vmem>>, vector<128x128xf32>
    %dot_general3A = arith.constant dense<0.000000e+00> : vector<1000x128xf32>
    %dot_general3A_9 = tpu.matmul %mul3A_5, %get3A_8, %dot_general3A {dimension_numbers = #tpu.dot_dimension_numbers<[1], [0], [0], [1], [0, 0, 1, 1], [], []>, transpose_lhs_hint = false} : vector<1000x128xf32>, vector<128x128xf32>, vector<1000x128xf32> -> vector<1000x128xf32>
    %get3A_10 = arith.constant 0 : index
    %get3A_11 = arith.constant 0 : index
    %get3A_12 = vector.load %arg4[%get3A_10, %get3A_11] : memref<1x128xf32, #tpu.memory_space<vmem>>, vector<1x128xf32>
    %add3A = vector.broadcast %get3A_12 : vector<1x128xf32> to vector<1000x128xf32>
    %add3A_13 = arith.addf %dot_general3A_9, %add3A : vector<1000x128xf32>
    %swap3A = arith.constant 0 : index
    %swap3A_14 = arith.constant 0 : index
    %swap3A_15 = vector.load %arg5[%swap3A, %swap3A_14] : memref<1000x128xf32, #tpu.memory_space<vmem>>, vector<1000x128xf32>
    tpu.vector_store %arg5[%swap3A, %swap3A_14], %add3A_13 {strides = array<i32>} : memref<1000x128xf32, #tpu.memory_space<vmem>>, vector<1000x128xf32>,
    return
  }
  func.func @transform_0(%arg0: i32) -> (i32, i32) {
    %c0_i32 = arith.constant 0 : i32
    %c0_i32_0 = arith.constant 0 : i32
    return %arg0, %c0_i32 : i32, i32
  }
  func.func @transform_1(%arg0: i32) -> (i32, i32) {
    %c0_i32 = arith.constant 0 : i32
    %c0_i32_0 = arith.constant 0 : i32
    return %arg0, %c0_i32 : i32, i32
  }
  func.func @transform_2(%arg0: i32) -> (i32, i32) {
    %c0_i32 = arith.constant 0 : i32
    %c0_i32_0 = arith.constant 0 : i32
    %c0_i32_1 = arith.constant 0 : i32
    return %c0_i32, %c0_i32_0 : i32, i32
  }
  func.func @transform_3(%arg0: i32) -> (i32, i32) {
    %c0_i32 = arith.constant 0 : i32
    %c0_i32_0 = arith.constant 0 : i32
    %c0_i32_1 = arith.constant 0 : i32
    return %c0_i32, %c0_i32_0 : i32, i32
  }
  func.func @transform_4(%arg0: i32) -> (i32, i32) {
    %c0_i32 = arith.constant 0 : i32
    %c0_i32_0 = arith.constant 0 : i32
    return %arg0, %c0_i32 : i32, i32
  }
}

</mosaic_0001>

<sc_bundles>
// kernel: kernel.6.cloned.1.call-start
scs
__scs_entry_jumppad:
0x0: {  	(pc) =	sbr.rel $0x88, $3  }
0x1: {  	(tag) =	ssettag $0x0;
	lr =	simm.s32 $0x1  }
0x2: {  	[smem:$0x3F9D] =	sst lr;
	_ =	strace $0xD0000000  }
0x3: {  	_ = 	snop  }
0x4: {  	_ = 	snop  }
0x5: {  	_ = 	snop  }
0x6: {  	_ = 	snop  }
0x7: {  	_ = 	snop  }
__scs_overlays_trampoline_lowered:
0x8: {  	[smem:$0x3FAC] =	sst s0  }
0x9: {  	[smem:$0x3FAD] =	sst s1  }
0xa: {  	[smem:$0x3FAE] =	sst s2  }
0xb: {  	[smem:$0x3FAF] =	sst s3  }
0xc: {  	[smem:$0x3FB0] =	sst s4  }
0xd: {  	[smem:$0x3FB1] =	sst s5  }
0xe: {  	[smem:$0x3FB2] =	sst s6  }
0xf: {  	[smem:$0x3FB3] =	sst s7  }
0x10: {  	[smem:$0x3FB4] =	sst s8  }
0x11: {  	[smem:$0x3FB5] =	sst s9;
	s0 =	simm.s32 @!p0 $0x0  }
0x12: {  	s1 =	sld [smem:$0x3F9B];
	s0 =	simm.s32 @p0 $0x1  }
0x13: {  	[smem:$0x3FB6] =	sst s0;
	s0 =	simm.s32 @!p1 $0x0  }
0x14: {  	s2 =	sld [smem:$0x3F9A];
	s0 =	simm.s32 @p1 $0x1  }
0x15: {  	[smem:$0x3FB7] =	sst s0;
	s0 =	simm.s32 @!p2 $0x0  }
0x16: {  	s3 =	sld [smem:$0x3FDB];
	s0 =	simm.s32 @p2 $0x1  }
0x17: {  	s4 =	simm.s32 $0x1BF5;
	[smem:$0x3FB9] =	sst s0  }
0x18: {  	s0 =	sld [smem:$0x3F9C];
	_ =	swait.ge [sflag:s4], $0x0  }
0x19: {  	s7 =	sld [smem:$0x3F9D]  }
0x1a: {  	s8 =	sadd.s32 $0xFFFFE003, lr  }
0x1b: {  	s9 =	sadd.s32 $0xFFFFFEF7, lr;
	s5 =	simm.s32 $0xFFFFFFFF;
	p2 =	slt.u32 s8, $0xFFFFF086  }
0x1c: {  	p1 =	slt.u32 s9, $0xF7A;
	s5 =	simm.s32 @!p2 $0x0  }
0x1d: {  	s5 =	simm.s32 @p1 $0x1;
	p0 =	seq.s32 s7, s2  }
0x1e: {  	s7 =	smul.u32 @!p0 $0xF7A, s2;
	p2 =	seq.s32 @!p0 s5, $0x0  }
0x1f: {  	s9 =	smul.u32 $0xF7A, s1;
	s8 =	simm.s32 @!p0 $0x1BF5;
	p2 =	por !p2, p0  }
0x20: {  	[sflag:s8] =	ssyncset.s32 @!p0 $0xFFFFF086;
	s6 =	sadd.s32 @!p0 s3, s7;
	s7 =	simm.s32 @!p0 $0x108  }
0x21: {  	s3 =	sadd.s32 s3, s9;
	s6 =	sadd.s32 @!p0 $0x88, s6;
	s7 =	simm.s32 @p2 $0x1082  }
0x22: {  	[simem:s7], [sflag:s8] =	dma.local @!p0 [hbm:s6], $0xF7A  }
0x23: {  	s9 =	sor.u32 $0xD0000000, s2;
	s6 =	simm.s32 $0x108;
	_ =	swait.ge @!p0 [sflag:s8], $0x0  }
0x24: {  	s3 =	sadd.s32 $0x88, s3;
	s6 =	simm.s32 @!p1 $0x1082;
	[sflag:s4] =	ssyncset.s32 $0xFFFFF086  }
0x25: {  	[simem:s6], [sflag:s4] =	dma.local [hbm:s3], $0xF7A  }
0x26: {  	[smem:$0x3F9D] =	sst s1;
	(tag) =	ssettag s2;
	_ =	strace s9  }
0x27: {  	s1 =	sld [smem:$0x3FAD]  }
0x28: {  	s2 =	sld [smem:$0x3FAE]  }
0x29: {  	s4 =	sld [smem:$0x3FB0]  }
0x2a: {  	p0 =	seq.s32 s5, $0x0;
	s5 =	sld [smem:$0x3FB1]  }
0x2b: {  	s6 =	sld [smem:$0x3FB2]  }
0x2c: {  	s7 =	sld [smem:$0x3FB3]  }
0x2d: {  	s3 =	simm.s32 $0x108;
	s8 =	sld [smem:$0x3FB4]  }
0x2e: {  	s3 =	simm.s32 @!p0 $0x1082;
	s9 =	sld [smem:$0x3FB5]  }
0x2f: {  	lr =	sadd.s32 s0, s3;
	s0 =	sld [smem:$0x3FAC]  }
0x30: {  	s3 =	sld [smem:$0x3FAF]  }
0x31: {  	[smem:$0x3FB8] =	sst s10  }
0x32: {  	s10 =	sld [smem:$0x3FB6];
	_ =	sdelay $0x3  }
0x33: {  	p0 =	seq.s32 s10, $0x1;
	s10 =	sld [smem:$0x3FB8];
	_ =	sdelay $0x3  }
0x34: {  	[smem:$0x3FB8] =	sst s10  }
0x35: {  	s10 =	sld [smem:$0x3FB7];
	_ =	sdelay $0x3  }
0x36: {  	p1 =	seq.s32 s10, $0x1;
	s10 =	sld [smem:$0x3FB8];
	_ =	sdelay $0x3  }
0x37: {  	[smem:$0x3FB8] =	sst s10  }
0x38: {  	s10 =	sld [smem:$0x3FB9]  }
0x39: {  	_ = 	snop;
	(pc) =	sbr.ind lr, $3  }
0x3a: {  	_ = 	snop  }
0x3b: {  	_ = 	snop  }
0x3c: {  	p2 =	seq.s32 s10, $0x1;
	s10 =	sld [smem:$0x3FB8]  }
0x3d: {  	_ =	shalt  }
0x3e: {  	_ =	shalt  }
0x3f: {  	_ =	shalt  }
0x40: {  	_ =	shalt  }
0x41: {  	_ =	shalt  }
0x42: {  	_ =	shalt  }
0x43: {  	_ =	shalt  }
0x44: {  	_ =	shalt  }
0x45: {  	_ =	shalt  }
0x46: {  	_ =	shalt  }
0x47: {  	_ =	shalt  }
0x48: {  	_ =	shalt  }
0x49: {  	_ =	shalt  }
0x4a: {  	_ =	shalt  }
0x4b: {  	_ =	shalt  }
0x4c: {  	_ =	shalt  }
0x4d: {  	_ =	shalt  }
0x4e: {  	_ =	shalt  }
0x4f: {  	_ =	shalt  }
0x50: {  	_ =	shalt  }
0x51: {  	_ =	shalt  }
0x52: {  	_ =	shalt  }
0x53: {  	_ =	shalt  }
0x54: {  	_ =	shalt  }
0x55: {  	_ =	shalt  }
0x56: {  	_ =	shalt  }
0x57: {  	_ =	shalt  }
0x58: {  	_ =	shalt  }
0x59: {  	_ =	shalt  }
0x5a: {  	_ =	shalt  }
0x5b: {  	_ =	shalt  }
0x5c: {  	_ =	shalt  }
0x5d: {  	_ =	shalt  }
0x5e: {  	_ =	shalt  }
0x5f: {  	_ =	shalt  }
0x60: {  	_ =	shalt  }
0x61: {  	_ =	shalt  }
0x62: {  	_ =	shalt  }
0x63: {  	_ =	shalt  }
0x64: {  	_ =	shalt  }
0x65: {  	_ =	shalt  }
0x66: {  	_ =	shalt  }
0x67: {  	_ =	shalt  }
0x68: {  	_ =	shalt  }
0x69: {  	_ =	shalt  }
0x6a: {  	_ =	shalt  }
0x6b: {  	_ =	shalt  }
0x6c: {  	_ =	shalt  }
0x6d: {  	_ =	shalt  }
0x6e: {  	_ =	shalt  }
0x6f: {  	_ =	shalt  }
0x70: {  	_ =	shalt  }
0x71: {  	_ =	shalt  }
0x72: {  	_ =	shalt  }
0x73: {  	_ =	shalt  }
0x74: {  	_ =	shalt  }
0x75: {  	_ =	shalt  }
0x76: {  	_ =	shalt  }
0x77: {  	_ =	shalt  }
0x78: {  	_ =	shalt  }
0x79: {  	_ =	shalt  }
0x7a: {  	_ =	shalt  }
0x7b: {  	_ =	shalt  }
0x7c: {  	_ =	shalt  }
0x7d: {  	_ =	shalt  }
0x7e: {  	_ =	shalt  }
0x7f: {  	_ =	shalt  }
0x80: {  	_ =	shalt  }
0x81: {  	_ =	shalt  }
0x82: {  	_ =	shalt  }
0x83: {  	_ =	shalt  }
0x84: {  	_ =	shalt  }
0x85: {  	_ =	shalt  }
0x86: {  	_ =	shalt  }
0x87: {  	_ =	shalt  }
.Lfunc_end0:
.L_simem_size_0:
called_computation_lowered:
.L_overlay_start_0:
0x88: {  	s2 =	sld [smem:$0x3FD9]  }
0x89: {  	s3 =	sld [smem:$0x3FFE];
	_ =	sdelay $0x1  }
0x8a: {  	s1 =	srdreg.scid  }
0x8b: {  	s0 =	sand.u32 $0x1, s1  }
0x8c: {  	s17 =	sshll.u32 s0, $0xA;
	s2 =	sadd.s32 s3, s2  }
0x8d: {  	s2 =	sadd.s32 s2, s17  }
0x8e: {  	[smem:$0x3FC4] =	sst s2  }
0x8f: {  	_ = 	snop  }
0x90: {  	s2 =	sld [smem:$0x3FD0];
	(tm) =	ssettm $0x1  }
0x91: {  	s18 =	sld [smem:$0x3FFB];
	_ =	sdelay $0x3  }
0x92: {  	_ =	strace s18  }
0x93: {  	s3 =	sld [smem:$0x3FFC];
	_ =	sdelay $0x3  }
0x94: {  	_ =	strace s3  }
0x95: {  	s3 =	sld [smem:$0x3FFD];
	_ =	sdelay $0x3  }
0x96: {  	_ =	strace s3  }
0x97: {  	_ =	strace $0x8FFFFFFF  }
0x98: {  	s19 =	sld [smem:$0x3FDB];
	_ =	sdelay $0x1  }
0x99: {  	s4 =	simm.s32 $_scs_section_size  }
0x9a: {  	s5 =	simm.s32 $_size__tile_overlayer_lowered;
	s6 =	simm.s32 $_tile_overlayer_lowered  }
0x9b: {  	s22 =	simm.s32 $0x1BFF;
	s21 =	sshll.u32 s6, $0x1;
	s3 =	sadd.s32 s4, s19  }
0x9c: {  	s7 =	simm.s32 $0x0;
	s20 =	sshll.u32 s5, $0x1;
	s5 =	sadd.s32 s21, s3  }
0x9d: {  	[timem:s7], [sflag:s22] =	dma.local [hbm:s5], s20  }
0x9e: {  	_ =	swait.ge [sflag:s22], s20  }
0x9f: {  	s4 =	ssub.s32 $0x0, s20;
	[sflag:s22] =	ssyncset.done $0x0  }
0xa0: {  	[sflag:s22] =	ssyncadd.s32 s4;
	_ =	sdelay $0x1  }
0xa1: {  	s23 =	simm.s32 $0x1B8B  }
0xa2: {  	_ =	swait.ge [sflag:s23], $0x1  }
0xa3: {  	[sflag:s23] =	ssyncset.done $0x0  }
0xa4: {  	s25 =	simm.s32 $0x1B8E;
	s24 =	sld [smem:$0x3FFE];
	[sflag:s23] =	ssyncadd.s32 $0xFFFFFFFF  }
0xa5: {  	s26 =	simm.s32 $execute0_lowered;
	[smem:$0x3FD2] =	sst s25  }
0xa6: {  	s5 =	sshll.u32 s26, $0x1;
	_ =	strace $0x80000046;
	[dreg:$0x1] =	wrdreg $0xFFFFFFFF  }
0xa7: {  	s28 =	simm.s32 $_size_execute0_lowered;
	s3 =	sadd.s32 s3, s5;
	[dreg:$0x0] =	wrdreg $0x0  }
0xa8: {  	s5 =	sshll.u32 s28, $0x1;
	[dreg:$0x2] =	wrdreg s3  }
0xa9: {  	[dreg:$0x3] =	wrdreg s5  }
0xaa: {  	[dreg:$0x4] =	wrdreg $0xC0  }
0xab: {  	_ =	task [dreg:s7], $0x5FFFF  }
0xac: {  	[dreg:$0x1] =	wrdreg $0xFFFFFFFF  }
0xad: {  	[dreg:$0x0] =	wrdreg $0x60  }
0xae: {  	[dreg:$0x2] =	wrdreg s2  }
0xaf: {  	[dreg:$0x3] =	wrdreg s24  }
0xb0: {  	[dreg:$0x4] =	wrdreg $0x43000  }
0xb1: {  	[dreg:$0x5] =	wrdreg $0x9  }
0xb2: {  	_ =	task.clear_ibuf [dreg:s7], $0x6FFFF;
	_ =	strace $0x90000046  }
0xb3: {  	s29 =	simm.s32 $0x9;
	_ =	strace $0x80000048  }
0xb4: {  	_ =	swait.ge [sflag:s29], $0x1  }
0xb5: {  	[sflag:s29] =	ssyncadd.s32 $0xFFFFFFFF  }
0xb6: {  	_ =	strace $0x90000048  }
0xb7: {  	_ =	sfence  }
0xb8: {  	s30 =	sld [smem:$0x0];
	_ =	sdelay $0x2  }
0xb9: {  	s31 =	sshll.u32 s1, $0xD;
	s1 =	sshrl.u32 s1, $0x2  }
0xba: {  	s3 =	sand.u32 $0x4000, s31;
	s1 =	sadd.s32 s1, s30  }
0xbb: {  	s0 =	sor.u32 s3, s0;
	s1 =	sshll.u32 s1, $0x11  }
0xbc: {  	s0 =	sor.u32 s1, s0  }
0xbd: {  	s0 =	sadd.s32 $0x8F2B, s0  }
0xbe: {  	[sflag:s0] =	ssyncadd.remote.s32 $0x1  }
0xbf: {  	_ =	sfence.sel $0xFFFF  }
0xc0: {  	[dreg:$0x0] =	wrdreg $0xFFFFFFFF;
	(pc) =	sbr.abs _section_cstart, $3  }
0xc1: {  	[dreg:$0x1] =	wrdreg $0xFFFFFFFF  }
0xc2: {  	_ =	task.clear_ibuf [dreg:s7], $0x2FFFF;
	_ =	strace $0x9FFFFFFF  }
0xc3: {  	(tm) =	ssettm $0x7FFFFFFF  }
tec
execute0_lowered:
.L_overlay_start_1:
0x0: {  	(tag) =	ssettag $0x1  }
0x1: {  	s6 =	rddreg [dreg:$0x0]  }
0x2: {  	s7 =	rddreg [dreg:$0x1];
	s1 =	srdreg.scid  }
0x3: {  	s0 =	stileid.u32;
	s2 =	rddreg [dreg:$0x2]  }
0x4: {  	s3 =	simm.s32 $0x0;
	s12 =	simm.s32 $0x4000;
	s13 =	simm.s32 $0x50  }
0x5: {  	s14 =	simm.s32 $0x0;
	s8 =	sand.u32 $0x1, s1;
	s1 =	rddreg [dreg:$0x3]  }
0x6: {  	s9 =	smul.u32 $0x280, s0;
	[smem:$0x7FF] =	sst s3;
	s4 =	sadd.s32 $0xB000, s7  }
0x7: {  	s31 =	sshll.u32 s0, $0xC;
	s5 =	smul.u32 $0x2800, s8;
	s11 =	ssub.s32 $0x2, s8  }
0x8: {  	_ =	strace $0x80000047;
	s8 =	sshll.u32 s8, $0xB;
	s30 =	sshrl.u32 s11, $0x1  }
0x9: {  	s8 =	sadd.s32 s6, s8;
	s6 =	sadd.s32 s9, s2;
	s10 =	sadd.s32 s9, s5  }
0xa: {  	s5 =	sadd.s32 $0xAE00, s7;
	s11 =	ssub.s32 s11, s30;
	s10 =	sshrl.u32 s10, $0x3  }
0xb: {  	s9 =	smax.u32 s11, $0x1;
	s11 =	simm.s32 $0x1;
	s10 =	sadd.s32 s10, s7  }
0xc: {  	s7 =	sadd.s32 s31, s8;
	s8 =	sadd.s32 $0xB200, s10;
	s10 =	simm.s32 $0x4080  }
.LBB2_1:
0xd: {  	[tilespmem:s10], [sflag:$0x1] =	stream.linear.gather [hbm4b:s5+s3], $0x280, $0x38;
	[tilespmem:$0x4580] =	vst v63  }
0xe: {  	_ =	swait.ge [sflag:s11], $0x280  }
0xf: {  	[sflag:s11] =	ssyncset.done $0x0  }
0x10: {  	[sflag:s11] =	ssyncadd.s32 $0xFFFFFD80  }
0x11: {  	[spmem:s6] =	stream.linear.scatter [tilespmem:s10], [sflag:$0x1], $0x280, $0x38;
	[tilespmem:$0x4580] =	vst v63  }
0x12: {  	_ =	swait.ge [sflag:s11], $0x280  }
0x13: {  	[sflag:s11] =	ssyncset.done $0x0  }
0x14: {  	[sflag:s11] =	ssyncadd.s32 $0xFFFFFD80  }
0x15: {  	[tilespmem:s12], [sflag:$0x1] =	stream.linear.gather [hbm4b:s4+s3], $0x80, $0x38;
	[tilespmem:$0x4580] =	vst v63  }
0x16: {  	_ =	swait.ge [sflag:s11], $0x80  }
0x17: {  	[sflag:s11] =	ssyncset.done $0x0  }
0x18: {  	[sflag:s11] =	ssyncadd.s32 $0xFFFFFF80  }
0x19: {  	[bflag:$0x0] =	sbarrier.arrive $0xFFFF  }
0x1a: {  	[tilespmem:s3], [sflag:$0x1] =	stream.linear.gather [hbm4b:s7+s3], $0x3E80, $0x38;
	[tilespmem:$0x4580] =	vst v63  }
0x1b: {  	_ =	swait.ge [sflag:s11], $0x3E80  }
0x1c: {  	[sflag:s11] =	ssyncset.done $0x0  }
0x1d: {  	s15 =	simm.s32 $0x0;
	[sflag:s11] =	ssyncadd.s32 $0xFFFFC180  }
0x1e: {  	[spmem:s2] =	stream.indirect.scatter.add.f32 [tilespmem:s12], [sflag:$0x1], $0x1, s15, s13, $0xb8;
	[tilespmem:$0x4580] =	vst v63  }
0x1f: {  	_ =	swait.ge [sflag:s11], $0x50  }
0x20: {  	s15 =	simm.s32 $0x200;
	[sflag:s11] =	ssyncset.done $0x0  }
.LBB2_2:
0x21: {  	s16 =	sshra.s32 s15, $0x2;
	[sflag:s11] =	ssyncadd.s32 $0xFFFFFFB0;
	p0 =	sne.s32 s15, $0xF800  }
0x22: {  	[spmem:s2] =	stream.indirect.scatter.add.f32 [tilespmem:s12], [sflag:$0x1], $0x1, s16, s13, $0xb8;
	[tilespmem:$0x4580] =	vst v63  }
.Ltmp0:
0x23: {  	_ = 	snop;
	(pc) =	sbr.rel @p0 .LBB2_2-.Ltmp0, $4  }
0x24: {  	_ = 	snop  }
0x25: {  	s15 =	sadd.s32 $0x200, s15  }
0x26: {  	_ =	swait.ge [sflag:s11], $0x50  }
0x27: {  	[sflag:s11] =	ssyncset.done $0x0  }
0x28: {  	[sflag:s11] =	ssyncadd.s32 $0xFFFFFFB0  }
0x29: {  	[bflag:$0x0] =	sbarrier.arrive $0xFFFF  }
0x2a: {  	[tilespmem:s10], [sflag:$0x1] =	stream.linear.gather [spmem:s6], $0x280, $0x38;
	[tilespmem:$0x4580] =	vst v63  }
0x2b: {  	s14 =	sadd.s32 $0x1, s14;
	_ =	swait.ge [sflag:s11], $0x280  }
0x2c: {  	p0 =	sne.s32 s14, s9;
	[sflag:s11] =	ssyncset.done $0x0  }
.Ltmp1:
0x2d: {  	[sflag:s11] =	ssyncadd.s32 $0xFFFFFD80;
	(pc) =	sbr.rel @p0 .LBB2_1-.Ltmp1, $4  }
0x2e: {  	[hbm4b:s8+s3] =	stream.linear.scatter [tilespmem:s10], [sflag:$0x1], $0x280, $0x38;
	[tilespmem:$0x4580] =	vst v63  }
0x2f: {  	_ =	swait.ge [sflag:s11], $0x280  }
0x30: {  	[sflag:s11] =	ssyncset.done $0x0  }
0x31: {  	[sflag:s11] =	ssyncadd.s32 $0xFFFFFD80  }
0x32: {  	_ =	sfence.sel $0x180000  }
0x33: {  	[bflag:$0x0] =	sbarrier.arrive $0xFFFF  }
0x34: {  	p0 =	sne.s32 s0, $0x0;
	_ =	strace $0x90000047  }
0x35: {  	s0 =	sadd.s32 @!p0 $0x100000, s1;
	[bflag:$0x2] =	sbarrier.arrive $0xFFFF  }
0x36: {  	[sflag:s0] =	ssyncadd.tile.s32 @!p0 $0x1;
	_ =	shalt  }
.Lfunc_end2:
_tile_overlayer_lowered:
.L_overlay_start_2:
0x37: {  	(tag) =	ssettag $0x2  }
0x38: {  	s0 =	rddreg [dreg:$0x0];
	s2 =	stileid.u32  }
0x39: {  	s1 =	rddreg [dreg:$0x1];
	p0 =	sne.s32 s2, $0x0  }
0x3a: {  	s3 =	rddreg [dreg:$0x2];
	[bflag:$0x3] =	sbarrier.arrive $0xFFFF;
	s2 =	simm.s32 @!p0 $0x1C01  }
0x3b: {  	[timem:s3], [sflag:s2] =	dma.local @!p0 [hbm:s0], s1  }
0x3c: {  	s0 =	simm.s32 @!p0 $0x1  }
0x3d: {  	_ =	swait.ge @!p0 [sflag:s0], s1  }
0x3e: {  	s1 =	ssub.s32 @!p0 $0x0, s1;
	[sflag:s0] =	ssyncset.done @!p0 $0x0  }
0x3f: {  	[sflag:s0] =	ssyncadd.s32 @!p0 s1  }
0x40: {  	[bflag:$0x3] =	sbarrier.arrive $0xFFFF  }
0x41: {  	_ =	shalt  }

// kernel: kernel.9.cloned.1.call-start
scs
__scs_entry_jumppad:
0x0: {  	(pc) =	sbr.rel $0x88, $3  }
0x1: {  	(tag) =	ssettag $0x0;
	lr =	simm.s32 $0x1  }
0x2: {  	[smem:$0x3F9D] =	sst lr;
	_ =	strace $0xD0000000  }
0x3: {  	_ = 	snop  }
0x4: {  	_ = 	snop  }
0x5: {  	_ = 	snop  }
0x6: {  	_ = 	snop  }
0x7: {  	_ = 	snop  }
__scs_overlays_trampoline_lowered:
0x8: {  	[smem:$0x3FAC] =	sst s0  }
0x9: {  	[smem:$0x3FAD] =	sst s1  }
0xa: {  	[smem:$0x3FAE] =	sst s2  }
0xb: {  	[smem:$0x3FAF] =	sst s3  }
0xc: {  	[smem:$0x3FB0] =	sst s4  }
0xd: {  	[smem:$0x3FB1] =	sst s5  }
0xe: {  	[smem:$0x3FB2] =	sst s6  }
0xf: {  	[smem:$0x3FB3] =	sst s7  }
0x10: {  	[smem:$0x3FB4] =	sst s8  }
0x11: {  	[smem:$0x3FB5] =	sst s9;
	s0 =	simm.s32 @!p0 $0x0  }
0x12: {  	s1 =	sld [smem:$0x3F9B];
	s0 =	simm.s32 @p0 $0x1  }
0x13: {  	[smem:$0x3FB6] =	sst s0;
	s0 =	simm.s32 @!p1 $0x0  }
0x14: {  	s2 =	sld [smem:$0x3F9A];
	s0 =	simm.s32 @p1 $0x1  }
0x15: {  	[smem:$0x3FB7] =	sst s0;
	s0 =	simm.s32 @!p2 $0x0  }
0x16: {  	s3 =	sld [smem:$0x3FDB];
	s0 =	simm.s32 @p2 $0x1  }
0x17: {  	s4 =	simm.s32 $0x1BF5;
	[smem:$0x3FB9] =	sst s0  }
0x18: {  	s0 =	sld [smem:$0x3F9C];
	_ =	swait.ge [sflag:s4], $0x0  }
0x19: {  	s7 =	sld [smem:$0x3F9D]  }
0x1a: {  	s8 =	sadd.s32 $0xFFFFE003, lr  }
0x1b: {  	s9 =	sadd.s32 $0xFFFFFEF7, lr;
	s5 =	simm.s32 $0xFFFFFFFF;
	p2 =	slt.u32 s8, $0xFFFFF086  }
0x1c: {  	p1 =	slt.u32 s9, $0xF7A;
	s5 =	simm.s32 @!p2 $0x0  }
0x1d: {  	s5 =	simm.s32 @p1 $0x1;
	p0 =	seq.s32 s7, s2  }
0x1e: {  	s7 =	smul.u32 @!p0 $0xF7A, s2;
	p2 =	seq.s32 @!p0 s5, $0x0  }
0x1f: {  	s9 =	smul.u32 $0xF7A, s1;
	s8 =	simm.s32 @!p0 $0x1BF5;
	p2 =	por !p2, p0  }
0x20: {  	[sflag:s8] =	ssyncset.s32 @!p0 $0xFFFFF086;
	s6 =	sadd.s32 @!p0 s3, s7;
	s7 =	simm.s32 @!p0 $0x108  }
0x21: {  	s3 =	sadd.s32 s3, s9;
	s6 =	sadd.s32 @!p0 $0x88, s6;
	s7 =	simm.s32 @p2 $0x1082  }
0x22: {  	[simem:s7], [sflag:s8] =	dma.local @!p0 [hbm:s6], $0xF7A  }
0x23: {  	s9 =	sor.u32 $0xD0000000, s2;
	s6 =	simm.s32 $0x108;
	_ =	swait.ge @!p0 [sflag:s8], $0x0  }
0x24: {  	s3 =	sadd.s32 $0x88, s3;
	s6 =	simm.s32 @!p1 $0x1082;
	[sflag:s4] =	ssyncset.s32 $0xFFFFF086  }
0x25: {  	[simem:s6], [sflag:s4] =	dma.local [hbm:s3], $0xF7A  }
0x26: {  	[smem:$0x3F9D] =	sst s1;
	(tag) =	ssettag s2;
	_ =	strace s9  }
0x27: {  	s1 =	sld [smem:$0x3FAD]  }
0x28: {  	s2 =	sld [smem:$0x3FAE]  }
0x29: {  	s4 =	sld [smem:$0x3FB0]  }
0x2a: {  	p0 =	seq.s32 s5, $0x0;
	s5 =	sld [smem:$0x3FB1]  }
0x2b: {  	s6 =	sld [smem:$0x3FB2]  }
0x2c: {  	s7 =	sld [smem:$0x3FB3]  }
0x2d: {  	s3 =	simm.s32 $0x108;
	s8 =	sld [smem:$0x3FB4]  }
0x2e: {  	s3 =	simm.s32 @!p0 $0x1082;
	s9 =	sld [smem:$0x3FB5]  }
0x2f: {  	lr =	sadd.s32 s0, s3;
	s0 =	sld [smem:$0x3FAC]  }
0x30: {  	s3 =	sld [smem:$0x3FAF]  }
0x31: {  	[smem:$0x3FB8] =	sst s10  }
0x32: {  	s10 =	sld [smem:$0x3FB6];
	_ =	sdelay $0x3  }
0x33: {  	p0 =	seq.s32 s10, $0x1;
	s10 =	sld [smem:$0x3FB8];
	_ =	sdelay $0x3  }
0x34: {  	[smem:$0x3FB8] =	sst s10  }
0x35: {  	s10 =	sld [smem:$0x3FB7];
	_ =	sdelay $0x3  }
0x36: {  	p1 =	seq.s32 s10, $0x1;
	s10 =	sld [smem:$0x3FB8];
	_ =	sdelay $0x3  }
0x37: {  	[smem:$0x3FB8] =	sst s10  }
0x38: {  	s10 =	sld [smem:$0x3FB9]  }
0x39: {  	_ = 	snop;
	(pc) =	sbr.ind lr, $3  }
0x3a: {  	_ = 	snop  }
0x3b: {  	_ = 	snop  }
0x3c: {  	p2 =	seq.s32 s10, $0x1;
	s10 =	sld [smem:$0x3FB8]  }
0x3d: {  	_ =	shalt  }
0x3e: {  	_ =	shalt  }
0x3f: {  	_ =	shalt  }
0x40: {  	_ =	shalt  }
0x41: {  	_ =	shalt  }
0x42: {  	_ =	shalt  }
0x43: {  	_ =	shalt  }
0x44: {  	_ =	shalt  }
0x45: {  	_ =	shalt  }
0x46: {  	_ =	shalt  }
0x47: {  	_ =	shalt  }
0x48: {  	_ =	shalt  }
0x49: {  	_ =	shalt  }
0x4a: {  	_ =	shalt  }
0x4b: {  	_ =	shalt  }
0x4c: {  	_ =	shalt  }
0x4d: {  	_ =	shalt  }
0x4e: {  	_ =	shalt  }
0x4f: {  	_ =	shalt  }
0x50: {  	_ =	shalt  }
0x51: {  	_ =	shalt  }
0x52: {  	_ =	shalt  }
0x53: {  	_ =	shalt  }
0x54: {  	_ =	shalt  }
0x55: {  	_ =	shalt  }
0x56: {  	_ =	shalt  }
0x57: {  	_ =	shalt  }
0x58: {  	_ =	shalt  }
0x59: {  	_ =	shalt  }
0x5a: {  	_ =	shalt  }
0x5b: {  	_ =	shalt  }
0x5c: {  	_ =	shalt  }
0x5d: {  	_ =	shalt  }
0x5e: {  	_ =	shalt  }
0x5f: {  	_ =	shalt  }
0x60: {  	_ =	shalt  }
0x61: {  	_ =	shalt  }
0x62: {  	_ =	shalt  }
0x63: {  	_ =	shalt  }
0x64: {  	_ =	shalt  }
0x65: {  	_ =	shalt  }
0x66: {  	_ =	shalt  }
0x67: {  	_ =	shalt  }
0x68: {  	_ =	shalt  }
0x69: {  	_ =	shalt  }
0x6a: {  	_ =	shalt  }
0x6b: {  	_ =	shalt  }
0x6c: {  	_ =	shalt  }
0x6d: {  	_ =	shalt  }
0x6e: {  	_ =	shalt  }
0x6f: {  	_ =	shalt  }
0x70: {  	_ =	shalt  }
0x71: {  	_ =	shalt  }
0x72: {  	_ =	shalt  }
0x73: {  	_ =	shalt  }
0x74: {  	_ =	shalt  }
0x75: {  	_ =	shalt  }
0x76: {  	_ =	shalt  }
0x77: {  	_ =	shalt  }
0x78: {  	_ =	shalt  }
0x79: {  	_ =	shalt  }
0x7a: {  	_ =	shalt  }
0x7b: {  	_ =	shalt  }
0x7c: {  	_ =	shalt  }
0x7d: {  	_ =	shalt  }
0x7e: {  	_ =	shalt  }
0x7f: {  	_ =	shalt  }
0x80: {  	_ =	shalt  }
0x81: {  	_ =	shalt  }
0x82: {  	_ =	shalt  }
0x83: {  	_ =	shalt  }
0x84: {  	_ =	shalt  }
0x85: {  	_ =	shalt  }
0x86: {  	_ =	shalt  }
0x87: {  	_ =	shalt  }
.Lfunc_end0:
.L_simem_size_0:
called_computation.1_lowered:
.L_overlay_start_0:
0x88: {  	s2 =	sld [smem:$0x3FD9]  }
0x89: {  	s3 =	sld [smem:$0x3FFE];
	_ =	sdelay $0x1  }
0x8a: {  	s1 =	srdreg.scid  }
0x8b: {  	s0 =	sand.u32 $0x1, s1  }
0x8c: {  	s17 =	sshll.u32 s0, $0xA;
	s2 =	sadd.s32 s3, s2  }
0x8d: {  	s2 =	sadd.s32 s2, s17  }
0x8e: {  	[smem:$0x3FC4] =	sst s2  }
0x8f: {  	_ = 	snop  }
0x90: {  	s2 =	sld [smem:$0x3FD0];
	(tm) =	ssettm $0x1  }
0x91: {  	s18 =	sld [smem:$0x3FFB];
	_ =	sdelay $0x3  }
0x92: {  	_ =	strace s18  }
0x93: {  	s3 =	sld [smem:$0x3FFC];
	_ =	sdelay $0x3  }
0x94: {  	_ =	strace s3  }
0x95: {  	s3 =	sld [smem:$0x3FFD];
	_ =	sdelay $0x3  }
0x96: {  	_ =	strace s3  }
0x97: {  	_ =	strace $0x8FFFFFFF  }
0x98: {  	s19 =	sld [smem:$0x3FDB];
	_ =	sdelay $0x1  }
0x99: {  	s4 =	simm.s32 $_scs_section_size  }
0x9a: {  	s5 =	simm.s32 $_size__tile_overlayer_lowered;
	s6 =	simm.s32 $_tile_overlayer_lowered  }
0x9b: {  	s22 =	simm.s32 $0x1BFF;
	s21 =	sshll.u32 s6, $0x1;
	s3 =	sadd.s32 s4, s19  }
0x9c: {  	s7 =	simm.s32 $0x0;
	s20 =	sshll.u32 s5, $0x1;
	s5 =	sadd.s32 s21, s3  }
0x9d: {  	[timem:s7], [sflag:s22] =	dma.local [hbm:s5], s20  }
0x9e: {  	_ =	swait.ge [sflag:s22], s20  }
0x9f: {  	s4 =	ssub.s32 $0x0, s20;
	[sflag:s22] =	ssyncset.done $0x0  }
0xa0: {  	[sflag:s22] =	ssyncadd.s32 s4;
	_ =	sdelay $0x1  }
0xa1: {  	s23 =	simm.s32 $0x1B8B  }
0xa2: {  	_ =	swait.ge [sflag:s23], $0x1  }
0xa3: {  	[sflag:s23] =	ssyncset.done $0x0  }
0xa4: {  	s25 =	simm.s32 $0x1B8E;
	s24 =	sld [smem:$0x3FFE];
	[sflag:s23] =	ssyncadd.s32 $0xFFFFFFFF  }
0xa5: {  	s26 =	simm.s32 $execute0_lowered;
	[smem:$0x3FD2] =	sst s25  }
0xa6: {  	s5 =	sshll.u32 s26, $0x1;
	_ =	strace $0x80000049;
	[dreg:$0x1] =	wrdreg $0xFFFFFFFF  }
0xa7: {  	s28 =	simm.s32 $_size_execute0_lowered;
	s3 =	sadd.s32 s3, s5;
	[dreg:$0x0] =	wrdreg $0x0  }
0xa8: {  	s5 =	sshll.u32 s28, $0x1;
	[dreg:$0x2] =	wrdreg s3  }
0xa9: {  	[dreg:$0x3] =	wrdreg s5  }
0xaa: {  	[dreg:$0x4] =	wrdreg $0xC0  }
0xab: {  	_ =	task [dreg:s7], $0x5FFFF  }
0xac: {  	[dreg:$0x1] =	wrdreg $0xFFFFFFFF  }
0xad: {  	[dreg:$0x0] =	wrdreg $0x60  }
0xae: {  	[dreg:$0x2] =	wrdreg s2  }
0xaf: {  	[dreg:$0x3] =	wrdreg s24  }
0xb0: {  	[dreg:$0x4] =	wrdreg $0x116800  }
0xb1: {  	[dreg:$0x5] =	wrdreg $0x9  }
0xb2: {  	_ =	task.clear_ibuf [dreg:s7], $0x6FFFF;
	_ =	strace $0x90000049  }
0xb3: {  	s29 =	simm.s32 $0x9;
	_ =	strace $0x8000004B  }
0xb4: {  	_ =	swait.ge [sflag:s29], $0x1  }
0xb5: {  	[sflag:s29] =	ssyncadd.s32 $0xFFFFFFFF  }
0xb6: {  	_ =	strace $0x9000004B  }
0xb7: {  	_ =	sfence  }
0xb8: {  	s30 =	sld [smem:$0x0];
	_ =	sdelay $0x2  }
0xb9: {  	s31 =	sshll.u32 s1, $0xD;
	s1 =	sshrl.u32 s1, $0x2  }
0xba: {  	s3 =	sand.u32 $0x4000, s31;
	s1 =	sadd.s32 s1, s30  }
0xbb: {  	s0 =	sor.u32 s3, s0;
	s1 =	sshll.u32 s1, $0x11  }
0xbc: {  	s0 =	sor.u32 s1, s0  }
0xbd: {  	s0 =	sadd.s32 $0x8F2B, s0  }
0xbe: {  	[sflag:s0] =	ssyncadd.remote.s32 $0x1  }
0xbf: {  	_ =	sfence.sel $0xFFFF  }
0xc0: {  	[dreg:$0x0] =	wrdreg $0xFFFFFFFF;
	(pc) =	sbr.abs _section_cstart, $3  }
0xc1: {  	[dreg:$0x1] =	wrdreg $0xFFFFFFFF  }
0xc2: {  	_ =	task.clear_ibuf [dreg:s7], $0x2FFFF;
	_ =	strace $0x9FFFFFFF  }
0xc3: {  	(tm) =	ssettm $0x7FFFFFFF  }
tec
execute0_lowered:
.L_overlay_start_1:
0x0: {  	(tag) =	ssettag $0x1  }
0x1: {  	s1 =	rddreg [dreg:$0x0]  }
0x2: {  	s5 =	rddreg [dreg:$0x1]  }
0x3: {  	s2 =	rddreg [dreg:$0x2]  }
0x4: {  	s14 =	stileid.u32;
	s3 =	simm.s32 $0x0;
	s6 =	srdreg.scid  }
0x5: {  	s4 =	smul.u32 $0x9C4, s14;
	[smem:$0x7FF] =	sst s3  }
0x6: {  	s6 =	sand.u32 $0x1, s6;
	s20 =	sshll.u32 s14, $0xC;
	s9 =	smul.u32 $0x140, s14  }
0x7: {  	s13 =	smul.u32 $0x28000, s14;
	s24 =	sshll.u32 s14, $0x6;
	p0 =	sne.s32 s14, $0x0  }
0x8: {  	_ =	strace $0x8000004A;
	s7 =	smul.u32 $0x14000, s6;
	s8 =	ssub.s32 $0x2, s6  }
0x9: {  	s12 =	sadd.s32 s20, s5;
	s25 =	smul.u32 $0x1400, s6;
	s6 =	sor.u32 $0x1C02, s24  }
0xa: {  	s20 =	sadd.s32 $0xA0000, s2;
	s11 =	sadd.s32 s4, s5;
	s10 =	sshrl.u32 s8, $0x1  }
0xb: {  	s4 =	sadd.s32 $0xAE00, s5;
	s21 =	sshrl.u32 s13, $0x2;
	s22 =	sadd.s32 $0x40, s9  }
0xc: {  	s17 =	sadd.s32 $0x80, s9;
	s18 =	sadd.s32 $0xC0, s9;
	s19 =	sadd.s32 $0x100, s9  }
0xd: {  	s12 =	sadd.s32 $0xBC00, s12;
	s15 =	sadd.s32 s7, s5;
	s16 =	ssub.s32 s8, s10  }
0xe: {  	s5 =	sadd.s32 s21, s2;
	s26 =	sshll.u32 s22, $0x7;
	s29 =	sshll.u32 s17, $0x7  }
0xf: {  	s30 =	sshll.u32 s18, $0x7;
	s31 =	sshll.u32 s19, $0x7;
	s11 =	sadd.s32 $0x1000, s11  }
0x10: {  	s21 =	smul.u32 $0x1400, s14;
	s22 =	sshll.u32 s22, $0x4;
	s24 =	sshll.u32 s17, $0x4  }
0x11: {  	s28 =	sshll.u32 s19, $0x4;
	v0 =	vmov s25;
	s25 =	simm.s32 $0x1;
	s7 =	sadd.s32 s26, s2  }
0x12: {  	s8 =	sadd.s32 s29, s2;
	s9 =	sadd.s32 s30, s2;
	s10 =	sadd.s32 s31, s2  }
0x13: {  	s23 =	sadd.s32 $0x1BC00, s15;
	s26 =	sshll.u32 s18, $0x4;
	s13 =	smax.u32 s16, $0x1  }
0x14: {  	s14 =	sshrl.u32 s5, $0x3;
	s15 =	simm.s32 $0x2;
	s16 =	sshrl.u32 @!p0 s20, $0x3  }
0x15: {  	s18 =	simm.s32 $0x50;
	s19 =	sadd.s32 s21, s23;
	s20 =	sadd.s32 s22, s23  }
0x16: {  	s21 =	sadd.s32 s24, s23;
	s22 =	sadd.s32 s26, s23;
	s23 =	sadd.s32 s28, s23  }
0x17: {  	s24 =	simm.s32 $0xCE80;
	s26 =	simm.s32 $0xF680;
	s28 =	simm.s32 $0x0  }
.LBB2_1:
0x18: {  	[spmem:s14], [sflag:s6] =	dma.local [hbm:s4], $0x400  }
0x19: {  	_ =	swait.ge [sflag:s15], $0x400  }
0x1a: {  	[sflag:s15] =	ssyncset.done $0x0  }
0x1b: {  	s29 =	sshrl.u32 s7, $0x3;
	[sflag:s15] =	ssyncadd.s32 $0xFFFFFC00  }
0x1c: {  	[spmem:s29], [sflag:s6] =	dma.local [hbm:s4], $0x400  }
0x1d: {  	_ =	swait.ge [sflag:s15], $0x400  }
0x1e: {  	[sflag:s15] =	ssyncset.done $0x0  }
0x1f: {  	s29 =	sshrl.u32 s8, $0x3;
	[sflag:s15] =	ssyncadd.s32 $0xFFFFFC00  }
0x20: {  	[spmem:s29], [sflag:s6] =	dma.local [hbm:s4], $0x400  }
0x21: {  	_ =	swait.ge [sflag:s15], $0x400  }
0x22: {  	[sflag:s15] =	ssyncset.done $0x0  }
0x23: {  	s29 =	sshrl.u32 s9, $0x3;
	[sflag:s15] =	ssyncadd.s32 $0xFFFFFC00  }
0x24: {  	[spmem:s29], [sflag:s6] =	dma.local [hbm:s4], $0x400  }
0x25: {  	_ =	swait.ge [sflag:s15], $0x400  }
0x26: {  	[sflag:s15] =	ssyncset.done $0x0  }
0x27: {  	s29 =	sshrl.u32 s10, $0x3;
	[sflag:s15] =	ssyncadd.s32 $0xFFFFFC00  }
0x28: {  	[spmem:s29], [sflag:s6] =	dma.local [hbm:s4], $0x400  }
0x29: {  	_ =	swait.ge [sflag:s15], $0x400  }
0x2a: {  	[sflag:s15] =	ssyncset.done $0x0  }
0x2b: {  	s29 =	simm.s32 @!p0 $0x2;
	[sflag:s15] =	ssyncadd.s32 $0xFFFFFC00  }
0x2c: {  	[spmem:s16], [sflag:s6] =	dma.local @!p0 [hbm:s4], $0x80  }
0x2d: {  	_ =	swait.ge @!p0 [sflag:s29], $0x80  }
0x2e: {  	[sflag:s29] =	ssyncset.done @!p0 $0x0  }
0x2f: {  	[sflag:s29] =	ssyncadd.s32 @!p0 $0xFFFFFF80  }
0x30: {  	[tilespmem:s3], [sflag:$0x2] =	stream.linear.gather [hbm4b:s11+s3], $0x4E20, $0x38;
	[tilespmem:$0x1B6C0] =	vst v63  }
0x31: {  	_ =	swait.ge [sflag:s15], $0x4E20  }
0x32: {  	[sflag:s15] =	ssyncset.done $0x0  }
0x33: {  	s0 =	simm.s32 $0x4E80;
	[sflag:s15] =	ssyncadd.s32 $0xFFFFB1E0  }
0x34: {  	[tilespmem:s0], [sflag:$0x2] =	stream.linear.gather [hbm4b:s12+s3], $0x7D00, $0x38;
	[tilespmem:$0x1B6C0] =	vst v63  }
0x35: {  	_ =	swait.ge [sflag:s15], $0x7D00  }
0x36: {  	[sflag:s15] =	ssyncset.done $0x0  }
0x37: {  	s29 =	simm.s32 $0x0;
	[sflag:s15] =	ssyncadd.s32 $0xFFFF8300  }
0x38: {  	v3 =	vld [tilespmem:s29+$0x4E80]  }
0x39: {  	v4 =	vld [tilespmem:s29+$0x4E90]  }
0x3a: {  	v2 =	vld [tilespmem:s29+$0x4EA0]  }
0x3b: {  	s30 =	simm.s32 $0x200;
	v1 =	vld [tilespmem:s29+$0x4EB0]  }
.LBB2_2:
0x3c: {  	p1 =	sne.s32 s30, $0x1F200;
	v5 =	vld [tilespmem:s29+$0x4EC0]  }
0x3d: {  	v3 =	vsub.s32 v3, v0  }
0x3e: {  	v3 =	vmin.u32 v3, $0x1400;
	v4 =	vsub.s32 v4, v0  }
.Ltmp0:
0x3f: {  	s31 =	sshra.s32 s30, $0x2;
	[tilespmem:s29+$0x4E80] =	vst v3;
	v4 =	vmin.u32 v4, $0x1400;
	v2 =	vsub.s32 v2, v0;
	(pc) =	sbr.rel @p1 .LBB2_2-.Ltmp0, $4  }
0x40: {  	v3 =	vld [tilespmem:s31+$0x4E80];
	[tilespmem:s29+$0x4E90] =	vst v4;
	v2 =	vmin.u32 v2, $0x1400;
	v1 =	vsub.s32 v1, v0  }
0x41: {  	v4 =	vld [tilespmem:s31+$0x4E90];
	[tilespmem:s29+$0x4EA0] =	vst v2;
	v1 =	vmin.u32 v1, $0x1400;
	v5 =	vsub.s32 v5, v0  }
0x42: {  	v2 =	vld [tilespmem:s31+$0x4EA0];
	[tilespmem:s29+$0x4EB0] =	vst v1;
	v5 =	vmin.u32 v5, $0x1400  }
0x43: {  	s30 =	sadd.s32 $0x200, s30;
	v1 =	vld [tilespmem:s31+$0x4EB0];
	[tilespmem:s29+$0x4EC0] =	vst v5;
	s29 =	smov.u32 s31  }
0x44: {  	v5 =	vld [tilespmem:s29+$0x4EC0]  }
0x45: {  	v3 =	vsub.s32 v3, v0  }
0x46: {  	v3 =	vmin.u32 v3, $0x1400;
	v4 =	vsub.s32 v4, v0  }
0x47: {  	[tilespmem:s29+$0x4E80] =	vst v3;
	v3 =	vmin.u32 v4, $0x1400;
	v2 =	vsub.s32 v2, v0  }
0x48: {  	[tilespmem:s29+$0x4E90] =	vst v3;
	v2 =	vmin.u32 v2, $0x1400;
	v1 =	vsub.s32 v1, v0  }
0x49: {  	[tilespmem:s29+$0x4EA0] =	vst v2;
	v1 =	vmin.u32 v1, $0x1400;
	v2 =	vsub.s32 v5, v0  }
0x4a: {  	[tilespmem:s29+$0x4EB0] =	vst v1;
	v1 =	vmin.u32 v2, $0x1400  }
0x4b: {  	[tilespmem:s29+$0x4EC0] =	vst v1  }
0x4c: {  	s29 =	simm.s32 $0x0;
	[bflag:$0x0] =	sbarrier.arrive $0xFFFF  }
0x4d: {  	[tilespmem:s24], [sflag:$0x1] =	stream.indirect.gather [hbm4b:s1+s18], $0x80, s29, s18, $0xb8;
	[tilespmem:$0x1B6C0] =	vst v63  }
0x4e: {  	_ =	swait.ge [sflag:s25], $0x2800  }
0x4f: {  	[sflag:s25] =	ssyncset.done $0x0  }
0x50: {  	s29 =	simm.s32 $0x4E80;
	[sflag:s25] =	ssyncadd.s32 $0xFFFFD800  }
0x51: {  	[spmem:s2] =	stream.indirect.scatter.add.f32 [tilespmem:s24], [sflag:$0x2], $0x80, s29, s18, $0xb8;
	[tilespmem:$0x1B6C0] =	vst v63  }
0x52: {  	s30 =	simm.s32 $0x140;
	_ =	swait.ge [sflag:s15], $0x2800  }
0x53: {  	s31 =	simm.s32 $0x280;
	s29 =	simm.s32 $0x4F00;
	[sflag:s15] =	ssyncset.done $0x0  }
.LBB2_4:
0x54: {  	s0 =	sshra.s32 s30, $0x2  }
0x55: {  	[sflag:s15] =	ssyncadd.s32 $0xFFFFD800;
	s30 =	smov.u32 s31;
	s17 =	sadd.s32 $0x140, s31  }
0x56: {  	[tilespmem:s24], [sflag:$0x1] =	stream.indirect.gather [hbm4b:s1+s18], $0x80, s0, s18, $0xb8;
	[tilespmem:$0x1B6C0] =	vst v63  }
0x57: {  	p1 =	sne.s32 s31, $0x13740;
	_ =	swait.ge [sflag:s25], $0x2800  }
.Ltmp1:
0x58: {  	[sflag:s25] =	ssyncset.done $0x0;
	(pc) =	sbr.rel @p1 .LBB2_4-.Ltmp1, $4  }
0x59: {  	[sflag:s25] =	ssyncadd.s32 $0xFFFFD800  }
0x5a: {  	[spmem:s2] =	stream.indirect.scatter.add.f32 [tilespmem:s24], [sflag:$0x2], $0x80, s29, s18, $0xb8;
	[tilespmem:$0x1B6C0] =	vst v63  }
0x5b: {  	_ =	swait.ge [sflag:s15], $0x2800  }
0x5c: {  	s31 =	smov.u32 s17;
	s29 =	sadd.s32 $0x80, s29;
	[sflag:s15] =	ssyncset.done $0x0  }
0x5d: {  	s0 =	sshra.s32 s30, $0x2;
	[sflag:s15] =	ssyncadd.s32 $0xFFFFD800  }
0x5e: {  	[tilespmem:s24], [sflag:$0x1] =	stream.indirect.gather [hbm4b:s1+s18], $0x80, s0, s18, $0xb8;
	[tilespmem:$0x1B6C0] =	vst v63  }
0x5f: {  	_ =	swait.ge [sflag:s25], $0x2800  }
0x60: {  	[sflag:s25] =	ssyncset.done $0x0  }
0x61: {  	[sflag:s25] =	ssyncadd.s32 $0xFFFFD800  }
0x62: {  	[spmem:s2] =	stream.indirect.scatter.add.f32 [tilespmem:s24], [sflag:$0x2], $0x80, s29, s18, $0xb8;
	[tilespmem:$0x1B6C0] =	vst v63  }
0x63: {  	_ =	swait.ge [sflag:s15], $0x2800  }
0x64: {  	[sflag:s15] =	ssyncset.done $0x0  }
0x65: {  	[sflag:s15] =	ssyncadd.s32 $0xFFFFD800  }
0x66: {  	[bflag:$0x0] =	sbarrier.arrive $0xFFFF  }
0x67: {  	[tilespmem:s26], [sflag:$0x2] =	stream.linear.gather [spmem:s5], $0x2000, $0x38;
	[tilespmem:$0x1B6C0] =	vst v63  }
0x68: {  	_ =	swait.ge [sflag:s15], $0x2000  }
0x69: {  	[sflag:s15] =	ssyncset.done $0x0  }
0x6a: {  	[sflag:s15] =	ssyncadd.s32 $0xFFFFE000  }
0x6b: {  	[hbm4b:s19+s3] =	stream.linear.scatter [tilespmem:s26], [sflag:$0x2], $0x2000, $0x38;
	[tilespmem:$0x1B6C0] =	vst v63  }
0x6c: {  	_ =	swait.ge [sflag:s15], $0x2000  }
0x6d: {  	[sflag:s15] =	ssyncset.done $0x0  }
0x6e: {  	[sflag:s15] =	ssyncadd.s32 $0xFFFFE000  }
0x6f: {  	[tilespmem:s26], [sflag:$0x2] =	stream.linear.gather [spmem:s7], $0x2000, $0x38;
	[tilespmem:$0x1B6C0] =	vst v63  }
0x70: {  	_ =	swait.ge [sflag:s15], $0x2000  }
0x71: {  	[sflag:s15] =	ssyncset.done $0x0  }
0x72: {  	[sflag:s15] =	ssyncadd.s32 $0xFFFFE000  }
0x73: {  	[hbm4b:s20+s3] =	stream.linear.scatter [tilespmem:s26], [sflag:$0x2], $0x2000, $0x38;
	[tilespmem:$0x1B6C0] =	vst v63  }
0x74: {  	_ =	swait.ge [sflag:s15], $0x2000  }
0x75: {  	[sflag:s15] =	ssyncset.done $0x0  }
0x76: {  	[sflag:s15] =	ssyncadd.s32 $0xFFFFE000  }
0x77: {  	[tilespmem:s26], [sflag:$0x2] =	stream.linear.gather [spmem:s8], $0x2000, $0x38;
	[tilespmem:$0x1B6C0] =	vst v63  }
0x78: {  	_ =	swait.ge [sflag:s15], $0x2000  }
0x79: {  	[sflag:s15] =	ssyncset.done $0x0  }
0x7a: {  	[sflag:s15] =	ssyncadd.s32 $0xFFFFE000  }
0x7b: {  	[hbm4b:s21+s3] =	stream.linear.scatter [tilespmem:s26], [sflag:$0x2], $0x2000, $0x38;
	[tilespmem:$0x1B6C0] =	vst v63  }
0x7c: {  	_ =	swait.ge [sflag:s15], $0x2000  }
0x7d: {  	[sflag:s15] =	ssyncset.done $0x0  }
0x7e: {  	[sflag:s15] =	ssyncadd.s32 $0xFFFFE000  }
0x7f: {  	[tilespmem:s26], [sflag:$0x2] =	stream.linear.gather [spmem:s9], $0x2000, $0x38;
	[tilespmem:$0x1B6C0] =	vst v63  }
0x80: {  	_ =	swait.ge [sflag:s15], $0x2000  }
0x81: {  	[sflag:s15] =	ssyncset.done $0x0  }
0x82: {  	[sflag:s15] =	ssyncadd.s32 $0xFFFFE000  }
0x83: {  	[hbm4b:s22+s3] =	stream.linear.scatter [tilespmem:s26], [sflag:$0x2], $0x2000, $0x38;
	[tilespmem:$0x1B6C0] =	vst v63  }
0x84: {  	_ =	swait.ge [sflag:s15], $0x2000  }
0x85: {  	[sflag:s15] =	ssyncset.done $0x0  }
0x86: {  	[sflag:s15] =	ssyncadd.s32 $0xFFFFE000  }
0x87: {  	[tilespmem:s26], [sflag:$0x2] =	stream.linear.gather [spmem:s10], $0x2000, $0x38;
	[tilespmem:$0x1B6C0] =	vst v63  }
0x88: {  	s28 =	sadd.s32 $0x1, s28;
	_ =	swait.ge [sflag:s15], $0x2000  }
0x89: {  	p1 =	sne.s32 s28, s13;
	[sflag:s15] =	ssyncset.done $0x0  }
.Ltmp2:
0x8a: {  	[sflag:s15] =	ssyncadd.s32 $0xFFFFE000;
	(pc) =	sbr.rel @p1 .LBB2_1-.Ltmp2, $4  }
0x8b: {  	[hbm4b:s23+s3] =	stream.linear.scatter [tilespmem:s26], [sflag:$0x2], $0x2000, $0x38;
	[tilespmem:$0x1B6C0] =	vst v63  }
0x8c: {  	_ =	swait.ge [sflag:s15], $0x2000  }
0x8d: {  	[sflag:s15] =	ssyncset.done $0x0  }
0x8e: {  	[sflag:s15] =	ssyncadd.s32 $0xFFFFE000  }
0x8f: {  	_ =	sfence.sel $0x180000  }
0x90: {  	[bflag:$0x0] =	sbarrier.arrive $0xFFFF  }
0x91: {  	_ =	strace $0x9000004A  }
0x92: {  	[bflag:$0x2] =	sbarrier.arrive $0xFFFF  }
0x93: {  	s0 =	rddreg [dreg:$0x3]  }
0x94: {  	s0 =	sadd.s32 @!p0 $0x100000, s0  }
0x95: {  	[sflag:s0] =	ssyncadd.tile.s32 @!p0 $0x1;
	_ =	shalt  }
.Lfunc_end2:
_tile_overlayer_lowered:
.L_overlay_start_2:
0x96: {  	(tag) =	ssettag $0x2  }
0x97: {  	s0 =	rddreg [dreg:$0x0];
	s2 =	stileid.u32  }
0x98: {  	s1 =	rddreg [dreg:$0x1];
	p0 =	sne.s32 s2, $0x0  }
0x99: {  	s3 =	rddreg [dreg:$0x2];
	[bflag:$0x3] =	sbarrier.arrive $0xFFFF;
	s2 =	simm.s32 @!p0 $0x1C02  }
0x9a: {  	[timem:s3], [sflag:s2] =	dma.local @!p0 [hbm:s0], s1  }
0x9b: {  	s0 =	simm.s32 @!p0 $0x2  }
0x9c: {  	_ =	swait.ge @!p0 [sflag:s0], s1  }
0x9d: {  	s1 =	ssub.s32 @!p0 $0x0, s1;
	[sflag:s0] =	ssyncset.done @!p0 $0x0  }
0x9e: {  	[sflag:s0] =	ssyncadd.s32 @!p0 s1  }
0x9f: {  	[bflag:$0x3] =	sbarrier.arrive $0xFFFF  }
0xa0: {  	_ =	shalt  }

</sc_bundles>
